<compile_context>
chip_gen: v7x
topology: tpu7x:2x2x1
jax: 0.10.2.dev20260603
libtpu: 0.0.44.dev20260713+nightly
codegen_flags: <defaults>
</compile_context>

<pallas_src>
import jax
import jax.numpy as jnp
from jax import lax
from jax.experimental import pallas as pl
from jax.experimental.pallas import tpu as pltpu
from jax.experimental.pallas import tpu_sc as plsc

NUM_EMB = 100000
DIM = 64
OUT_W = 128
BAND_LO = 32000
N_TRAIN = 16
BATCH = 4096
HIST = 200
TOTAL = BATCH * HIST
XCOLS = 128
XROWS_CHUNK = 4
CHUNK = XROWS_CHUNK * XCOLS
LANES = 16
N_SLICES = CHUNK // LANES


def _sc_body(x_hbm, w_hbm, delta_hbm, out_hbm,
             idx0, idx1, rows0, rows1, dflat_v,
             gsem0, gsem1, wsem, isem):
    info = plsc.get_sparse_core_info()
    nc = info.num_cores
    nw = nc * info.num_subcores
    per_w = TOTAL // nw
    n_chunks = per_w // CHUNK

    idxb = (idx0, idx1)
    rowsb = (rows0, rows1)
    gsem = (gsem0, gsem1)

    wid = lax.axis_index("s") * nc + lax.axis_index("c")
    xrow_base = wid * (per_w // XCOLS)

    pltpu.sync_copy(delta_hbm, dflat_v)

    lane = lax.iota(jnp.int32, LANES)

    def issue_idx(c, p):
        pltpu.async_copy(
            x_hbm.at[pl.ds(xrow_base + c * XROWS_CHUNK, XROWS_CHUNK)],
            idxb[p], isem)

    def drain_idx(p):
        pltpu.make_async_copy(
            x_hbm.at[pl.ds(0, XROWS_CHUNK)], idxb[p], isem).wait()

    def issue_gathers(p):
        for r in range(XROWS_CHUNK):
            pltpu.async_copy(
                w_hbm.at[idxb[p].at[r]],
                rowsb[p].at[pl.ds(r * XCOLS, XCOLS)],
                gsem[p])

    def drain_gathers(p):
        for r in range(XROWS_CHUNK):
            pltpu.make_async_copy(
                w_hbm.at[idxb[p].at[r]],
                rowsb[p].at[pl.ds(r * XCOLS, XCOLS)],
                gsem[p]).wait()

    def issue_write(c, p):
        pltpu.async_copy(
            rowsb[p],
            out_hbm.at[pl.ds((xrow_base + c * XROWS_CHUNK) * XCOLS, CHUNK),
                       pl.ds(0, DIM)],
            wsem)

    def drain_write(p):
        pltpu.make_async_copy(
            rowsb[p],
            out_hbm.at[pl.ds(0, CHUNK), pl.ds(0, DIM)],
            wsem).wait()

    def fixup(p):
        def fix_slice(s, _):
            idxs = idxb[p][s // (XCOLS // LANES),
                           pl.ds((s % (XCOLS // LANES)) * LANES, LANES)]
            rel = idxs - BAND_LO
            m = (rel >= 0) & (rel < N_TRAIN)

            @pl.when(jnp.any(m))
            def _():
                relc = jnp.where(m, rel, 0)
                pos = s * LANES + lane

                def fix_col(col, _):
                    dvals = plsc.load_gather(
                        dflat_v, [col * N_TRAIN + relc], mask=m)
                    plsc.addupdate_scatter(
                        rowsb[p],
                        [pos, jnp.full((LANES,), 1, jnp.int32) * col],
                        dvals,
                        mask=m,
                    )
                    return _

                lax.fori_loop(0, DIM, fix_col, None, unroll=False)
            return _

        lax.fori_loop(0, N_SLICES, fix_slice, None, unroll=False)

    pltpu.sync_copy(x_hbm.at[pl.ds(xrow_base, XROWS_CHUNK)], idx0)
    issue_gathers(0)
    issue_idx(1, 1)

    def pair_body(g, _):
        for p in range(2):
            c = g * 2 + p
            q = 1 - p

            @pl.when(c < n_chunks - 1)
            def _():
                drain_idx(q)

            @pl.when(c >= 1)
            def _():
                drain_write(q)

            @pl.when(c < n_chunks - 1)
            def _():
                issue_gathers(q)

            drain_gathers(p)
            fixup(p)

            @pl.when(c < n_chunks - 2)
            def _():
                issue_idx(c + 2, p)

            issue_write(c, p)
        return _

    lax.fori_loop(0, n_chunks // 2, pair_body, None, unroll=False)
    drain_write((n_chunks - 1) % 2)


def kernel(x, W, delta):
    x_i = x if x.dtype == jnp.int32 else x.astype(jnp.int32)
    x2d = x_i.reshape(TOTAL // XCOLS, XCOLS)
    mesh = plsc.VectorSubcoreMesh(core_axis_name="c", subcore_axis_name="s")
    run = pl.kernel(
        _sc_body,
        out_type=jax.ShapeDtypeStruct((TOTAL, OUT_W), jnp.float32),
        mesh=mesh,
        scratch_types=[
            pltpu.VMEM((XROWS_CHUNK, XCOLS), jnp.int32),
            pltpu.VMEM((XROWS_CHUNK, XCOLS), jnp.int32),
            pltpu.VMEM((CHUNK, DIM), jnp.float32),
            pltpu.VMEM((CHUNK, DIM), jnp.float32),
            pltpu.VMEM((N_TRAIN * DIM,), jnp.float32),
            pltpu.SemaphoreType.DMA,
            pltpu.SemaphoreType.DMA,
            pltpu.SemaphoreType.DMA,
            pltpu.SemaphoreType.DMA,
        ],
        compiler_params=pltpu.CompilerParams(
            needs_layout_passes=False, use_tc_tiling_on_sc=False),
    )
    out = run(x2d, W, delta)
    return out.reshape(BATCH, HIST, OUT_W)[:, :, :DIM]

# --- scband reference (transcript-rebuilt; emitter-appended) ---
"""Pipeline reference for scband-custom-tokens-layer-4518305595509 (READ-ONLY COPY).

The authoritative reference and input builder live on the scoring server;
editing this copy changes nothing except your own understanding.
"""

import jax, jax.numpy as jnp
import numpy as np

NUM_EMBEDDINGS = 100000
EMBEDDING_DIM = 64
TOKEN_INDICES = jnp.array([32000, 32001, 32002, 32003, 32004, 32005, 32006, 32007,
                           32008, 32009, 32010, 32011, 32012, 32013, 32014, 32015], dtype=jnp.int64)
NUM_TRAINABLE = 16
BATCH = 4096
HIST = 200


def setup_inputs(seed: int = 0) -> dict:
    key = jax.random.key(seed)
    k1, k2, k3 = jax.random.split(key, 3)
    x = jax.random.randint(k1, (BATCH, HIST), 0, NUM_EMBEDDINGS, dtype=jnp.int64)
    # base embedding table (base_layer.weight)
    W = jax.random.normal(k2, (NUM_EMBEDDINGS, EMBEDDING_DIM), dtype=jnp.float32) * 0.02
    # delta_tokens parameter: flat vector of length num_trainable * embedding_dim
    # (torch initializes with torch.rand, i.e. uniform [0,1))
    delta = jax.random.uniform(k3, (NUM_TRAINABLE * EMBEDDING_DIM,), dtype=jnp.float32)
    return {"x": x, "W": W, "delta": delta}


def reference(x, W, delta):
    # Reconstruct the sparse COO layout from the torch code:
    # value index i -> (row = token_indices[i % N], col = i // N)
    # so the dense (N_trainable, dim) delta block is delta.reshape(dim, N).T
    D = delta.reshape(EMBEDDING_DIM, NUM_TRAINABLE).T  # (NUM_TRAINABLE, EMBEDDING_DIM)
    # W + sparse_delta_tokens  (scatter-add into the full table)
    W_eff = W.at[TOKEN_INDICES].add(D)
    # F.embedding(x, W_eff) -> gather rows
    return jnp.take(W_eff, x, axis=0)

if __name__ == "__main__":
    import jax
    _d = setup_inputs()
    print(jax.jit(kernel)(*tuple(_d.values())))

</pallas_src>

<mosaic_0001>
#map = affine_map<(d0, d1) -> (0, 0)>
#map1 = affine_map<(d0, d1) -> (0)>
module attributes {stable_mosaic.version = 14 : i64} {
  func.func @_sc_body(%arg0: i32, %arg1: i32, %arg2: memref<6400x128xi32, #tpu.memory_space<hbm>>, %arg3: memref<100000x64xf32, #tpu.memory_space<hbm>>, %arg4: memref<1024xf32, #tpu.memory_space<hbm>>, %arg5: memref<819200x128xf32, #tpu.memory_space<hbm>>, %arg6: memref<4x128xi32, #tpu.memory_space<vmem>>, %arg7: memref<4x128xi32, #tpu.memory_space<vmem>>, %arg8: memref<512x64xf32, #tpu.memory_space<vmem>>, %arg9: memref<512x64xf32, #tpu.memory_space<vmem>>, %arg10: memref<1024xf32, #tpu.memory_space<vmem>>, %arg11: memref<!tpu.dma_semaphore, #tpu.memory_space<semaphore_mem>>, %arg12: memref<!tpu.dma_semaphore, #tpu.memory_space<semaphore_mem>>, %arg13: memref<!tpu.dma_semaphore, #tpu.memory_space<semaphore_mem>>, %arg14: memref<!tpu.dma_semaphore, #tpu.memory_space<semaphore_mem>>) attributes {dimension_semantics = [#tpu.dimension_semantics<core_parallel>, #tpu.dimension_semantics<subcore_parallel>], iteration_bounds = array<i64: 2, 16>, scalar_prefetch = 0 : i64, scratch_operands = 9 : i64, tpu.core_type = #tpu.core_type<sc_vector_subcore>, window_params = [{transform_indices = #map}, {transform_indices = #map}, {transform_indices = #map1}, {transform_indices = #map}]} {
    %mul3A = arith.constant 2 : i32
    %mul3A_0 = arith.muli %arg1, %mul3A : i32
    %add3A = arith.addi %mul3A_0, %arg0 : i32
    %mul3A_1 = arith.constant 200 : i32
    %mul3A_2 = arith.muli %add3A, %mul3A_1 : i32
    "tpu.region"() ({
      %run_scoped3A = tpu.sem_alloc : memref<!tpu.dma_semaphore, #tpu.memory_space<semaphore_mem>>
      tpu.enqueue_dma source(%arg4 : memref<1024xf32, #tpu.memory_space<hbm>>) target(%arg10 : memref<1024xf32, #tpu.memory_space<vmem>>) target_semaphore(%run_scoped3A : memref<!tpu.dma_semaphore, #tpu.memory_space<semaphore_mem>>)
      tpu.wait_dma2 semaphore(%run_scoped3A : memref<!tpu.dma_semaphore, #tpu.memory_space<semaphore_mem>>) src(%arg4 : memref<1024xf32, #tpu.memory_space<hbm>>) dst(%arg10 : memref<1024xf32, #tpu.memory_space<vmem>>)
      tpu.yield
    }) : () -> ()
    %iota3A = tpu.iota {dimensions = array<i32: 0>} : vector<16xi32>
    "tpu.region"() ({
      %run_scoped3A = tpu.sem_alloc : memref<!tpu.dma_semaphore, #tpu.memory_space<semaphore_mem>>
      %dma_start3A_57 = arith.constant 0 : i32
      %dma_start3A_58 = tpu.memref_slice %arg2[%mul3A_2, %dma_start3A_57] : memref<6400x128xi32, #tpu.memory_space<hbm>> -> memref<4x128xi32, #tpu.memory_space<hbm>>
      %dma_start3A_59 = arith.constant 0 : i32
      %dma_start3A_60 = tpu.memref_slice %arg2[%mul3A_2, %dma_start3A_59] : memref<6400x128xi32, #tpu.memory_space<hbm>> -> memref<4x128xi32, #tpu.memory_space<hbm>>
      tpu.enqueue_dma source(%dma_start3A_60 : memref<4x128xi32, #tpu.memory_space<hbm>>) target(%arg6 : memref<4x128xi32, #tpu.memory_space<vmem>>) target_semaphore(%run_scoped3A : memref<!tpu.dma_semaphore, #tpu.memory_space<semaphore_mem>>)
      %dma_wait3A_61 = arith.constant 0 : i32
      %dma_wait3A_62 = tpu.memref_slice %arg2[%mul3A_2, %dma_wait3A_61] : memref<6400x128xi32, #tpu.memory_space<hbm>> -> memref<4x128xi32, #tpu.memory_space<hbm>>
      %dma_wait3A_63 = arith.constant 0 : i32
      %dma_wait3A_64 = tpu.memref_slice %arg2[%mul3A_2, %dma_wait3A_63] : memref<6400x128xi32, #tpu.memory_space<hbm>> -> memref<4x128xi32, #tpu.memory_space<hbm>>
      tpu.wait_dma2 semaphore(%run_scoped3A : memref<!tpu.dma_semaphore, #tpu.memory_space<semaphore_mem>>) src(%dma_wait3A_64 : memref<4x128xi32, #tpu.memory_space<hbm>>) dst(%arg6 : memref<4x128xi32, #tpu.memory_space<vmem>>)
      tpu.yield
    }) : () -> ()
    %dma_start3A = arith.constant 0 : i32
    %dma_start3A_3 = arith.constant 0 : i32
    %dma_start3A_4 = arith.constant 0 : i32
    %dma_start3A_5 = tpu.memref_slice %arg8[%dma_start3A_3, %dma_start3A_4] : memref<512x64xf32, #tpu.memory_space<vmem>> -> memref<128x64xf32, #tpu.memory_space<vmem>>
    %dma_start3A_6 = arith.constant 0 : i32
    %dma_start3A_7 = tpu.memref_slice %arg6[%dma_start3A, %dma_start3A_6] : memref<4x128xi32, #tpu.memory_space<vmem>> -> memref<1x128xi32, #tpu.memory_space<vmem>>
    %dma_start3A_8 = tpu.memref_squeeze %dma_start3A_7 : memref<1x128xi32, #tpu.memory_space<vmem>> -> memref<128xi32, #tpu.memory_space<vmem>>
    %dma_start3A_9 = arith.constant 0 : i32
    %dma_start3A_10 = arith.constant 0 : i32
    %dma_start3A_11 = tpu.memref_slice %arg3[%dma_start3A_9, %dma_start3A_10] : memref<100000x64xf32, #tpu.memory_space<hbm>> -> memref<100000x64xf32, #tpu.memory_space<hbm>>
    tpu.enqueue_indirect_dma source(%dma_start3A_11 : memref<100000x64xf32, #tpu.memory_space<hbm>>) target(%dma_start3A_5 : memref<128x64xf32, #tpu.memory_space<vmem>>) offsets(%dma_start3A_8 : memref<128xi32, #tpu.memory_space<vmem>>) semaphore(%arg11 : memref<!tpu.dma_semaphore, #tpu.memory_space<semaphore_mem>>)
    %dma_start3A_12 = arith.constant 1 : i32
    %dma_start3A_13 = arith.constant 128 : i32
    %dma_start3A_14 = arith.constant 0 : i32
    %dma_start3A_15 = tpu.memref_slice %arg8[%dma_start3A_13, %dma_start3A_14] : memref<512x64xf32, #tpu.memory_space<vmem>> -> memref<128x64xf32, #tpu.memory_space<vmem>>
    %dma_start3A_16 = arith.constant 0 : i32
    %dma_start3A_17 = tpu.memref_slice %arg6[%dma_start3A_12, %dma_start3A_16] : memref<4x128xi32, #tpu.memory_space<vmem>> -> memref<1x128xi32, #tpu.memory_space<vmem>>
    %dma_start3A_18 = tpu.memref_squeeze %dma_start3A_17 : memref<1x128xi32, #tpu.memory_space<vmem>> -> memref<128xi32, #tpu.memory_space<vmem>>
    %dma_start3A_19 = arith.constant 0 : i32
    %dma_start3A_20 = arith.constant 0 : i32
    %dma_start3A_21 = tpu.memref_slice %arg3[%dma_start3A_19, %dma_start3A_20] : memref<100000x64xf32, #tpu.memory_space<hbm>> -> memref<100000x64xf32, #tpu.memory_space<hbm>>
    tpu.enqueue_indirect_dma source(%dma_start3A_21 : memref<100000x64xf32, #tpu.memory_space<hbm>>) target(%dma_start3A_15 : memref<128x64xf32, #tpu.memory_space<vmem>>) offsets(%dma_start3A_18 : memref<128xi32, #tpu.memory_space<vmem>>) semaphore(%arg11 : memref<!tpu.dma_semaphore, #tpu.memory_space<semaphore_mem>>)
    %dma_start3A_22 = arith.constant 2 : i32
    %dma_start3A_23 = arith.constant 256 : i32
    %dma_start3A_24 = arith.constant 0 : i32
    %dma_start3A_25 = tpu.memref_slice %arg8[%dma_start3A_23, %dma_start3A_24] : memref<512x64xf32, #tpu.memory_space<vmem>> -> memref<128x64xf32, #tpu.memory_space<vmem>>
    %dma_start3A_26 = arith.constant 0 : i32
    %dma_start3A_27 = tpu.memref_slice %arg6[%dma_start3A_22, %dma_start3A_26] : memref<4x128xi32, #tpu.memory_space<vmem>> -> memref<1x128xi32, #tpu.memory_space<vmem>>
    %dma_start3A_28 = tpu.memref_squeeze %dma_start3A_27 : memref<1x128xi32, #tpu.memory_space<vmem>> -> memref<128xi32, #tpu.memory_space<vmem>>
    %dma_start3A_29 = arith.constant 0 : i32
    %dma_start3A_30 = arith.constant 0 : i32
    %dma_start3A_31 = tpu.memref_slice %arg3[%dma_start3A_29, %dma_start3A_30] : memref<100000x64xf32, #tpu.memory_space<hbm>> -> memref<100000x64xf32, #tpu.memory_space<hbm>>
    tpu.enqueue_indirect_dma source(%dma_start3A_31 : memref<100000x64xf32, #tpu.memory_space<hbm>>) target(%dma_start3A_25 : memref<128x64xf32, #tpu.memory_space<vmem>>) offsets(%dma_start3A_28 : memref<128xi32, #tpu.memory_space<vmem>>) semaphore(%arg11 : memref<!tpu.dma_semaphore, #tpu.memory_space<semaphore_mem>>)
    %dma_start3A_32 = arith.constant 3 : i32
    %dma_start3A_33 = arith.constant 384 : i32
    %dma_start3A_34 = arith.constant 0 : i32
    %dma_start3A_35 = tpu.memref_slice %arg8[%dma_start3A_33, %dma_start3A_34] : memref<512x64xf32, #tpu.memory_space<vmem>> -> memref<128x64xf32, #tpu.memory_space<vmem>>
    %dma_start3A_36 = arith.constant 0 : i32
    %dma_start3A_37 = tpu.memref_slice %arg6[%dma_start3A_32, %dma_start3A_36] : memref<4x128xi32, #tpu.memory_space<vmem>> -> memref<1x128xi32, #tpu.memory_space<vmem>>
    %dma_start3A_38 = tpu.memref_squeeze %dma_start3A_37 : memref<1x128xi32, #tpu.memory_space<vmem>> -> memref<128xi32, #tpu.memory_space<vmem>>
    %dma_start3A_39 = arith.constant 0 : i32
    %dma_start3A_40 = arith.constant 0 : i32
    %dma_start3A_41 = tpu.memref_slice %arg3[%dma_start3A_39, %dma_start3A_40] : memref<100000x64xf32, #tpu.memory_space<hbm>> -> memref<100000x64xf32, #tpu.memory_space<hbm>>
    tpu.enqueue_indirect_dma source(%dma_start3A_41 : memref<100000x64xf32, #tpu.memory_space<hbm>>) target(%dma_start3A_35 : memref<128x64xf32, #tpu.memory_space<vmem>>) offsets(%dma_start3A_38 : memref<128xi32, #tpu.memory_space<vmem>>) semaphore(%arg11 : memref<!tpu.dma_semaphore, #tpu.memory_space<semaphore_mem>>)
    %add3A_42 = arith.constant 4 : i32
    %add3A_43 = arith.addi %mul3A_2, %add3A_42 : i32
    %dma_start3A_44 = arith.constant 0 : i32
    %dma_start3A_45 = tpu.memref_slice %arg2[%add3A_43, %dma_start3A_44] : memref<6400x128xi32, #tpu.memory_space<hbm>> -> memref<4x128xi32, #tpu.memory_space<hbm>>
    %dma_start3A_46 = arith.constant 0 : i32
    %dma_start3A_47 = tpu.memref_slice %arg2[%add3A_43, %dma_start3A_46] : memref<6400x128xi32, #tpu.memory_space<hbm>> -> memref<4x128xi32, #tpu.memory_space<hbm>>
    tpu.enqueue_dma source(%dma_start3A_47 : memref<4x128xi32, #tpu.memory_space<hbm>>) target(%arg7 : memref<4x128xi32, #tpu.memory_space<vmem>>) target_semaphore(%arg14 : memref<!tpu.dma_semaphore, #tpu.memory_space<semaphore_mem>>)
    %scan3A = arith.constant 0 : i32
    %scan3A_48 = arith.constant 25 : i32
    %scan3A_49 = arith.addi %scan3A, %scan3A_48 : i32
    %scan3A_50 = arith.constant 1 : i32
    scf.for %scan3A_57 = %scan3A to %scan3A_49 step %scan3A_50  : i32 {
      %mul3A_58 = arith.constant 2 : i32
      %mul3A_59 = arith.muli %scan3A_57, %mul3A_58 : i32
      %add3A_60 = arith.constant 0 : i32
      %add3A_61 = arith.addi %mul3A_59, %add3A_60 : i32
      %lt3A = arith.constant 49 : i32
      %lt3A_62 = arith.cmpi slt, %add3A_61, %lt3A : i32
      %convert_element_type3A = arith.extui %lt3A_62 : i1 to i32
      %cond3A = arith.constant 0 : i32
      %cond3A_63 = arith.cmpi ne, %convert_element_type3A, %cond3A : i32
      scf.if %cond3A_63 {
        %dma_wait3A_210 = arith.constant 0 : i32
        %dma_wait3A_211 = arith.constant 0 : i32
        %dma_wait3A_212 = tpu.memref_slice %arg2[%dma_wait3A_210, %dma_wait3A_211] : memref<6400x128xi32, #tpu.memory_space<hbm>> -> memref<4x128xi32, #tpu.memory_space<hbm>>
        %dma_wait3A_213 = arith.constant 0 : i32
        %dma_wait3A_214 = arith.constant 0 : i32
        %dma_wait3A_215 = tpu.memref_slice %arg2[%dma_wait3A_213, %dma_wait3A_214] : memref<6400x128xi32, #tpu.memory_space<hbm>> -> memref<4x128xi32, #tpu.memory_space<hbm>>
        tpu.wait_dma2 semaphore(%arg14 : memref<!tpu.dma_semaphore, #tpu.memory_space<semaphore_mem>>) src(%dma_wait3A_215 : memref<4x128xi32, #tpu.memory_space<hbm>>) dst(%arg7 : memref<4x128xi32, #tpu.memory_space<vmem>>)
      } else {
      }
      %ge3A = arith.constant 1 : i32
      %ge3A_64 = arith.cmpi sge, %add3A_61, %ge3A : i32
      %convert_element_type3A_65 = arith.extui %ge3A_64 : i1 to i32
      %cond3A_66 = arith.constant 0 : i32
      %cond3A_67 = arith.cmpi ne, %convert_element_type3A_65, %cond3A_66 : i32
      scf.if %cond3A_67 {
        %dma_wait3A_210 = arith.constant 0 : i32
        %dma_wait3A_211 = arith.constant 0 : i32
        %dma_wait3A_212 = tpu.memref_slice %arg5[%dma_wait3A_210, %dma_wait3A_211] : memref<819200x128xf32, #tpu.memory_space<hbm>> -> memref<512x64xf32, #tpu.memory_space<hbm>>
        %dma_wait3A_213 = arith.constant 0 : i32
        %dma_wait3A_214 = arith.constant 0 : i32
        %dma_wait3A_215 = tpu.memref_slice %arg5[%dma_wait3A_213, %dma_wait3A_214] : memref<819200x128xf32, #tpu.memory_space<hbm>> -> memref<512x64xf32, #tpu.memory_space<hbm>>
        tpu.wait_dma2 semaphore(%arg13 : memref<!tpu.dma_semaphore, #tpu.memory_space<semaphore_mem>>) src(%arg9 : memref<512x64xf32, #tpu.memory_space<vmem>>) dst(%dma_wait3A_215 : memref<512x64xf32, #tpu.memory_space<hbm>>)
      } else {
      }
      %lt3A_68 = arith.constant 49 : i32
      %lt3A_69 = arith.cmpi slt, %add3A_61, %lt3A_68 : i32
      %convert_element_type3A_70 = arith.extui %lt3A_69 : i1 to i32
      %cond3A_71 = arith.constant 0 : i32
      %cond3A_72 = arith.cmpi ne, %convert_element_type3A_70, %cond3A_71 : i32
      scf.if %cond3A_72 {
        %dma_start3A_210 = arith.constant 0 : i32
        %dma_start3A_211 = arith.constant 0 : i32
        %dma_start3A_212 = arith.constant 0 : i32
        %dma_start3A_213 = tpu.memref_slice %arg9[%dma_start3A_211, %dma_start3A_212] : memref<512x64xf32, #tpu.memory_space<vmem>> -> memref<128x64xf32, #tpu.memory_space<vmem>>
        %dma_start3A_214 = arith.constant 0 : i32
        %dma_start3A_215 = tpu.memref_slice %arg7[%dma_start3A_210, %dma_start3A_214] : memref<4x128xi32, #tpu.memory_space<vmem>> -> memref<1x128xi32, #tpu.memory_space<vmem>>
        %dma_start3A_216 = tpu.memref_squeeze %dma_start3A_215 : memref<1x128xi32, #tpu.memory_space<vmem>> -> memref<128xi32, #tpu.memory_space<vmem>>
        %dma_start3A_217 = arith.constant 0 : i32
        %dma_start3A_218 = arith.constant 0 : i32
        %dma_start3A_219 = tpu.memref_slice %arg3[%dma_start3A_217, %dma_start3A_218] : memref<100000x64xf32, #tpu.memory_space<hbm>> -> memref<100000x64xf32, #tpu.memory_space<hbm>>
        tpu.enqueue_indirect_dma source(%dma_start3A_219 : memref<100000x64xf32, #tpu.memory_space<hbm>>) target(%dma_start3A_213 : memref<128x64xf32, #tpu.memory_space<vmem>>) offsets(%dma_start3A_216 : memref<128xi32, #tpu.memory_space<vmem>>) semaphore(%arg12 : memref<!tpu.dma_semaphore, #tpu.memory_space<semaphore_mem>>)
        %dma_start3A_220 = arith.constant 1 : i32
        %dma_start3A_221 = arith.constant 128 : i32
        %dma_start3A_222 = arith.constant 0 : i32
        %dma_start3A_223 = tpu.memref_slice %arg9[%dma_start3A_221, %dma_start3A_222] : memref<512x64xf32, #tpu.memory_space<vmem>> -> memref<128x64xf32, #tpu.memory_space<vmem>>
        %dma_start3A_224 = arith.constant 0 : i32
        %dma_start3A_225 = tpu.memref_slice %arg7[%dma_start3A_220, %dma_start3A_224] : memref<4x128xi32, #tpu.memory_space<vmem>> -> memref<1x128xi32, #tpu.memory_space<vmem>>
        %dma_start3A_226 = tpu.memref_squeeze %dma_start3A_225 : memref<1x128xi32, #tpu.memory_space<vmem>> -> memref<128xi32, #tpu.memory_space<vmem>>
        %dma_start3A_227 = arith.constant 0 : i32
        %dma_start3A_228 = arith.constant 0 : i32
        %dma_start3A_229 = tpu.memref_slice %arg3[%dma_start3A_227, %dma_start3A_228] : memref<100000x64xf32, #tpu.memory_space<hbm>> -> memref<100000x64xf32, #tpu.memory_space<hbm>>
        tpu.enqueue_indirect_dma source(%dma_start3A_229 : memref<100000x64xf32, #tpu.memory_space<hbm>>) target(%dma_start3A_223 : memref<128x64xf32, #tpu.memory_space<vmem>>) offsets(%dma_start3A_226 : memref<128xi32, #tpu.memory_space<vmem>>) semaphore(%arg12 : memref<!tpu.dma_semaphore, #tpu.memory_space<semaphore_mem>>)
        %dma_start3A_230 = arith.constant 2 : i32
        %dma_start3A_231 = arith.constant 256 : i32
        %dma_start3A_232 = arith.constant 0 : i32
        %dma_start3A_233 = tpu.memref_slice %arg9[%dma_start3A_231, %dma_start3A_232] : memref<512x64xf32, #tpu.memory_space<vmem>> -> memref<128x64xf32, #tpu.memory_space<vmem>>
        %dma_start3A_234 = arith.constant 0 : i32
        %dma_start3A_235 = tpu.memref_slice %arg7[%dma_start3A_230, %dma_start3A_234] : memref<4x128xi32, #tpu.memory_space<vmem>> -> memref<1x128xi32, #tpu.memory_space<vmem>>
        %dma_start3A_236 = tpu.memref_squeeze %dma_start3A_235 : memref<1x128xi32, #tpu.memory_space<vmem>> -> memref<128xi32, #tpu.memory_space<vmem>>
        %dma_start3A_237 = arith.constant 0 : i32
        %dma_start3A_238 = arith.constant 0 : i32
        %dma_start3A_239 = tpu.memref_slice %arg3[%dma_start3A_237, %dma_start3A_238] : memref<100000x64xf32, #tpu.memory_space<hbm>> -> memref<100000x64xf32, #tpu.memory_space<hbm>>
        tpu.enqueue_indirect_dma source(%dma_start3A_239 : memref<100000x64xf32, #tpu.memory_space<hbm>>) target(%dma_start3A_233 : memref<128x64xf32, #tpu.memory_space<vmem>>) offsets(%dma_start3A_236 : memref<128xi32, #tpu.memory_space<vmem>>) semaphore(%arg12 : memref<!tpu.dma_semaphore, #tpu.memory_space<semaphore_mem>>)
        %dma_start3A_240 = arith.constant 3 : i32
        %dma_start3A_241 = arith.constant 384 : i32
        %dma_start3A_242 = arith.constant 0 : i32
        %dma_start3A_243 = tpu.memref_slice %arg9[%dma_start3A_241, %dma_start3A_242] : memref<512x64xf32, #tpu.memory_space<vmem>> -> memref<128x64xf32, #tpu.memory_space<vmem>>
        %dma_start3A_244 = arith.constant 0 : i32
        %dma_start3A_245 = tpu.memref_slice %arg7[%dma_start3A_240, %dma_start3A_244] : memref<4x128xi32, #tpu.memory_space<vmem>> -> memref<1x128xi32, #tpu.memory_space<vmem>>
        %dma_start3A_246 = tpu.memref_squeeze %dma_start3A_245 : memref<1x128xi32, #tpu.memory_space<vmem>> -> memref<128xi32, #tpu.memory_space<vmem>>
        %dma_start3A_247 = arith.constant 0 : i32
        %dma_start3A_248 = arith.constant 0 : i32
        %dma_start3A_249 = tpu.memref_slice %arg3[%dma_start3A_247, %dma_start3A_248] : memref<100000x64xf32, #tpu.memory_space<hbm>> -> memref<100000x64xf32, #tpu.memory_space<hbm>>
        tpu.enqueue_indirect_dma source(%dma_start3A_249 : memref<100000x64xf32, #tpu.memory_space<hbm>>) target(%dma_start3A_243 : memref<128x64xf32, #tpu.memory_space<vmem>>) offsets(%dma_start3A_246 : memref<128xi32, #tpu.memory_space<vmem>>) semaphore(%arg12 : memref<!tpu.dma_semaphore, #tpu.memory_space<semaphore_mem>>)
      } else {
      }
      %dma_wait3A_73 = arith.constant 0 : i32
      %dma_wait3A_74 = arith.constant 0 : i32
      %dma_wait3A_75 = arith.constant 0 : i32
      %dma_wait3A_76 = tpu.memref_slice %arg8[%dma_wait3A_74, %dma_wait3A_75] : memref<512x64xf32, #tpu.memory_space<vmem>> -> memref<128x64xf32, #tpu.memory_space<vmem>>
      %dma_wait3A_77 = arith.constant 0 : i32
      %dma_wait3A_78 = tpu.memref_slice %arg6[%dma_wait3A_73, %dma_wait3A_77] : memref<4x128xi32, #tpu.memory_space<vmem>> -> memref<1x128xi32, #tpu.memory_space<vmem>>
      %dma_wait3A_79 = tpu.memref_squeeze %dma_wait3A_78 : memref<1x128xi32, #tpu.memory_space<vmem>> -> memref<128xi32, #tpu.memory_space<vmem>>
      %dma_wait3A_80 = arith.constant 0 : i32
      %dma_wait3A_81 = arith.constant 0 : i32
      %dma_wait3A_82 = tpu.memref_slice %arg3[%dma_wait3A_80, %dma_wait3A_81] : memref<100000x64xf32, #tpu.memory_space<hbm>> -> memref<100000x64xf32, #tpu.memory_space<hbm>>
      tpu.wait_indirect_dma semaphore(%arg11 : memref<!tpu.dma_semaphore, #tpu.memory_space<semaphore_mem>>) src(%dma_wait3A_82 : memref<100000x64xf32, #tpu.memory_space<hbm>>) dst(%dma_wait3A_76 : memref<128x64xf32, #tpu.memory_space<vmem>>)
      %dma_wait3A_83 = arith.constant 1 : i32
      %dma_wait3A_84 = arith.constant 128 : i32
      %dma_wait3A_85 = arith.constant 0 : i32
      %dma_wait3A_86 = tpu.memref_slice %arg8[%dma_wait3A_84, %dma_wait3A_85] : memref<512x64xf32, #tpu.memory_space<vmem>> -> memref<128x64xf32, #tpu.memory_space<vmem>>
      %dma_wait3A_87 = arith.constant 0 : i32
      %dma_wait3A_88 = tpu.memref_slice %arg6[%dma_wait3A_83, %dma_wait3A_87] : memref<4x128xi32, #tpu.memory_space<vmem>> -> memref<1x128xi32, #tpu.memory_space<vmem>>
      %dma_wait3A_89 = tpu.memref_squeeze %dma_wait3A_88 : memref<1x128xi32, #tpu.memory_space<vmem>> -> memref<128xi32, #tpu.memory_space<vmem>>
      %dma_wait3A_90 = arith.constant 0 : i32
      %dma_wait3A_91 = arith.constant 0 : i32
      %dma_wait3A_92 = tpu.memref_slice %arg3[%dma_wait3A_90, %dma_wait3A_91] : memref<100000x64xf32, #tpu.memory_space<hbm>> -> memref<100000x64xf32, #tpu.memory_space<hbm>>
      tpu.wait_indirect_dma semaphore(%arg11 : memref<!tpu.dma_semaphore, #tpu.memory_space<semaphore_mem>>) src(%dma_wait3A_92 : memref<100000x64xf32, #tpu.memory_space<hbm>>) dst(%dma_wait3A_86 : memref<128x64xf32, #tpu.memory_space<vmem>>)
      %dma_wait3A_93 = arith.constant 2 : i32
      %dma_wait3A_94 = arith.constant 256 : i32
      %dma_wait3A_95 = arith.constant 0 : i32
      %dma_wait3A_96 = tpu.memref_slice %arg8[%dma_wait3A_94, %dma_wait3A_95] : memref<512x64xf32, #tpu.memory_space<vmem>> -> memref<128x64xf32, #tpu.memory_space<vmem>>
      %dma_wait3A_97 = arith.constant 0 : i32
      %dma_wait3A_98 = tpu.memref_slice %arg6[%dma_wait3A_93, %dma_wait3A_97] : memref<4x128xi32, #tpu.memory_space<vmem>> -> memref<1x128xi32, #tpu.memory_space<vmem>>
      %dma_wait3A_99 = tpu.memref_squeeze %dma_wait3A_98 : memref<1x128xi32, #tpu.memory_space<vmem>> -> memref<128xi32, #tpu.memory_space<vmem>>
      %dma_wait3A_100 = arith.constant 0 : i32
      %dma_wait3A_101 = arith.constant 0 : i32
      %dma_wait3A_102 = tpu.memref_slice %arg3[%dma_wait3A_100, %dma_wait3A_101] : memref<100000x64xf32, #tpu.memory_space<hbm>> -> memref<100000x64xf32, #tpu.memory_space<hbm>>
      tpu.wait_indirect_dma semaphore(%arg11 : memref<!tpu.dma_semaphore, #tpu.memory_space<semaphore_mem>>) src(%dma_wait3A_102 : memref<100000x64xf32, #tpu.memory_space<hbm>>) dst(%dma_wait3A_96 : memref<128x64xf32, #tpu.memory_space<vmem>>)
      %dma_wait3A_103 = arith.constant 3 : i32
      %dma_wait3A_104 = arith.constant 384 : i32
      %dma_wait3A_105 = arith.constant 0 : i32
      %dma_wait3A_106 = tpu.memref_slice %arg8[%dma_wait3A_104, %dma_wait3A_105] : memref<512x64xf32, #tpu.memory_space<vmem>> -> memref<128x64xf32, #tpu.memory_space<vmem>>
      %dma_wait3A_107 = arith.constant 0 : i32
      %dma_wait3A_108 = tpu.memref_slice %arg6[%dma_wait3A_103, %dma_wait3A_107] : memref<4x128xi32, #tpu.memory_space<vmem>> -> memref<1x128xi32, #tpu.memory_space<vmem>>
      %dma_wait3A_109 = tpu.memref_squeeze %dma_wait3A_108 : memref<1x128xi32, #tpu.memory_space<vmem>> -> memref<128xi32, #tpu.memory_space<vmem>>
      %dma_wait3A_110 = arith.constant 0 : i32
      %dma_wait3A_111 = arith.constant 0 : i32
      %dma_wait3A_112 = tpu.memref_slice %arg3[%dma_wait3A_110, %dma_wait3A_111] : memref<100000x64xf32, #tpu.memory_space<hbm>> -> memref<100000x64xf32, #tpu.memory_space<hbm>>
      tpu.wait_indirect_dma semaphore(%arg11 : memref<!tpu.dma_semaphore, #tpu.memory_space<semaphore_mem>>) src(%dma_wait3A_112 : memref<100000x64xf32, #tpu.memory_space<hbm>>) dst(%dma_wait3A_106 : memref<128x64xf32, #tpu.memory_space<vmem>>)
      %scan3A_113 = arith.constant 0 : i32
      %scan3A_114 = arith.constant 32 : i32
      %scan3A_115 = arith.addi %scan3A_113, %scan3A_114 : i32
      %scan3A_116 = arith.constant 1 : i32
      scf.for %scan3A_210 = %scan3A_113 to %scan3A_115 step %scan3A_116  : i32 {
        %jit3A = arith.constant 8 : i32
        %div3A = arith.divsi %scan3A_210, %jit3A : i32
        %sign3A = arith.constant 0 : i32
        %sign3A_211 = arith.cmpi sgt, %scan3A_210, %sign3A : i32
        %sign3A_212 = arith.extui %sign3A_211 : i1 to i32
        %sign3A_213 = arith.constant 0 : i32
        %sign3A_214 = arith.cmpi slt, %scan3A_210, %sign3A_213 : i32
        %sign3A_215 = arith.extui %sign3A_214 : i1 to i32
        %sign3A_216 = arith.subi %sign3A_212, %sign3A_215 : i32
        %sign3A_217 = arith.constant 0 : i32
        %sign3A_218 = arith.cmpi sgt, %jit3A, %sign3A_217 : i32
        %sign3A_219 = arith.extui %sign3A_218 : i1 to i32
        %sign3A_220 = arith.constant 0 : i32
        %sign3A_221 = arith.cmpi slt, %jit3A, %sign3A_220 : i32
        %sign3A_222 = arith.extui %sign3A_221 : i1 to i32
        %sign3A_223 = arith.subi %sign3A_219, %sign3A_222 : i32
        %ne3A = arith.cmpi ne, %sign3A_216, %sign3A_223 : i32
        %rem3A = arith.remsi %scan3A_210, %jit3A : i32
        %ne3A_224 = arith.constant 0 : i32
        %ne3A_225 = arith.cmpi ne, %rem3A, %ne3A_224 : i32
        %and3A = arith.andi %ne3A, %ne3A_225 : i1
        %sub3A = arith.constant 1 : i32
        %sub3A_226 = arith.subi %div3A, %sub3A : i32
        %select_n3A = arith.select %and3A, %sub3A_226, %div3A : i32
        %jit3A_227 = arith.constant 8 : i32
        %eq3A = arith.constant 0 : i32
        %eq3A_228 = arith.cmpi eq, %jit3A_227, %eq3A : i32
        %jit3A_229 = arith.constant 1 : i32
        %select_n3A_230 = arith.select %eq3A_228, %jit3A_229, %jit3A_227 : i32
        %rem3A_231 = arith.remsi %scan3A_210, %select_n3A_230 : i32
        %ne3A_232 = arith.constant 0 : i32
        %ne3A_233 = arith.cmpi ne, %rem3A_231, %ne3A_232 : i32
        %lt3A_234 = arith.constant 0 : i32
        %lt3A_235 = arith.cmpi slt, %rem3A_231, %lt3A_234 : i32
        %lt3A_236 = arith.constant 0 : i32
        %lt3A_237 = arith.cmpi slt, %select_n3A_230, %lt3A_236 : i32
        %ne3A_238 = arith.xori %lt3A_235, %lt3A_237 : i1
        %and3A_239 = arith.andi %ne3A_238, %ne3A_233 : i1
        %add3A_240 = arith.addi %rem3A_231, %select_n3A_230 : i32
        %select_n3A_241 = arith.select %and3A_239, %add3A_240, %rem3A_231 : i32
        %mul3A_242 = arith.constant 16 : i32
        %mul3A_243 = arith.muli %select_n3A_241, %mul3A_242 : i32
        %get3A = arith.index_cast %select_n3A : i32 to index
        %get3A_244 = arith.index_cast %mul3A_243 : i32 to index
        %get3A_245 = tpu.vector_load %arg6[%get3A, %get3A_244] {strides = array<i32>} : memref<4x128xi32, #tpu.memory_space<vmem>>, vector<16xi32>,
        %sub3A_246 = arith.constant 32000 : i32
        %sub3A_247 = vector.broadcast %sub3A_246 : i32 to vector<16xi32>
        %sub3A_248 = arith.subi %get3A_245, %sub3A_247 : vector<16xi32>
        %ge3A_249 = arith.constant 0 : i32
        %ge3A_250 = vector.broadcast %ge3A_249 : i32 to vector<16xi32>
        %ge3A_251 = arith.cmpi sge, %sub3A_248, %ge3A_250 : vector<16xi32>
        %lt3A_252 = arith.constant 16 : i32
        %lt3A_253 = vector.broadcast %lt3A_252 : i32 to vector<16xi32>
        %lt3A_254 = arith.cmpi slt, %sub3A_248, %lt3A_253 : vector<16xi32>
        %and3A_255 = arith.andi %ge3A_251, %lt3A_254 : vector<16xi1>
        %reduce_or3A = arith.constant 1.000000e+00 : f32
        %reduce_or3A_256 = arith.constant 0.000000e+00 : f32
        %reduce_or3A_257 = vector.broadcast %reduce_or3A : f32 to vector<16xf32>
        %reduce_or3A_258 = vector.broadcast %reduce_or3A_256 : f32 to vector<16xf32>
        %reduce_or3A_259 = arith.select %and3A_255, %reduce_or3A_257, %reduce_or3A_258 : vector<16xi1>, vector<16xf32>
        %reduce_or3A_260 = arith.constant true
        %reduce_or3A_261 = vector.broadcast %reduce_or3A_260 : i1 to vector<16xi1>
        %reduce_or3A_262 = tpu.scan <max>, %reduce_or3A_259 masked %reduce_or3A_261 : vector<16xf32>, vector<16xi1> -> vector<16xf32>
        %reduce_or3A_263 = vector.extract %reduce_or3A_262[15] : f32 from vector<16xf32>
        %reduce_or3A_264 = arith.constant 0.000000e+00 : f32
        %reduce_or3A_265 = arith.cmpf ogt, %reduce_or3A_263, %reduce_or3A_264 : f32
        %convert_element_type3A_266 = arith.extui %reduce_or3A_265 : i1 to i32
        %cond3A_267 = arith.constant 0 : i32
        %cond3A_268 = arith.cmpi ne, %convert_element_type3A_266, %cond3A_267 : i32
        scf.if %cond3A_268 {
          %jit3A_269 = arith.constant 0 : i32
          %broadcast_in_dim3A = vector.broadcast %jit3A_269 : i32 to vector<16xi32>
          %select_n3A_270 = arith.select %and3A_255, %sub3A_248, %broadcast_in_dim3A : vector<16xi1>, vector<16xi32>
          %mul3A_271 = arith.constant 16 : i32
          %mul3A_272 = arith.muli %scan3A_210, %mul3A_271 : i32
          %add3A_273 = vector.broadcast %mul3A_272 : i32 to vector<16xi32>
          %add3A_274 = arith.addi %add3A_273, %iota3A : vector<16xi32>
          %scan3A_275 = arith.constant 0 : i32
          %scan3A_276 = arith.constant 64 : i32
          %scan3A_277 = arith.addi %scan3A_275, %scan3A_276 : i32
          %scan3A_278 = arith.constant 1 : i32
          scf.for %scan3A_280 = %scan3A_275 to %scan3A_277 step %scan3A_278  : i32 {
            %mul3A_281 = arith.constant 16 : i32
            %mul3A_282 = arith.muli %scan3A_280, %mul3A_281 : i32
            %add3A_283 = vector.broadcast %mul3A_282 : i32 to vector<16xi32>
            %add3A_284 = arith.addi %add3A_283, %select_n3A_270 : vector<16xi32>
            %gather3A = tpu.vector_load_idx %arg10[%add3A_284] masked %and3A_255 : memref<1024xf32, #tpu.memory_space<vmem>>[vector<16xi32>], vector<16xf32>, vector<16xi1>
            %broadcast_in_dim3A_285 = arith.constant 1 : i32
            %broadcast_in_dim3A_286 = vector.broadcast %broadcast_in_dim3A_285 : i32 to vector<16xi32>
            %mul3A_287 = vector.broadcast %scan3A_280 : i32 to vector<16xi32>
            %mul3A_288 = arith.muli %broadcast_in_dim3A_286, %mul3A_287 : vector<16xi32>
            tpu.vector_store_idx %arg8[%add3A_274, %mul3A_288], %gather3A masked %and3A_255 {add = true} : memref<512x64xf32, #tpu.memory_space<vmem>>[vector<16xi32>, vector<16xi32>], vector<16xf32>, vector<16xi1>
          }
          %scan3A_279 = arith.constant 64 : i32
        } else {
        }
      }
      %scan3A_117 = arith.constant 32 : i32
      %lt3A_118 = arith.constant 48 : i32
      %lt3A_119 = arith.cmpi slt, %add3A_61, %lt3A_118 : i32
      %convert_element_type3A_120 = arith.extui %lt3A_119 : i1 to i32
      %cond3A_121 = arith.constant 0 : i32
      %cond3A_122 = arith.cmpi ne, %convert_element_type3A_120, %cond3A_121 : i32
      scf.if %cond3A_122 {
        %add3A_210 = arith.constant 2 : i32
        %add3A_211 = arith.addi %add3A_61, %add3A_210 : i32
        %mul3A_212 = arith.constant 4 : i32
        %mul3A_213 = arith.muli %add3A_211, %mul3A_212 : i32
        %add3A_214 = arith.addi %mul3A_2, %mul3A_213 : i32
        %dma_start3A_215 = arith.constant 0 : i32
        %dma_start3A_216 = tpu.memref_slice %arg2[%add3A_214, %dma_start3A_215] : memref<6400x128xi32, #tpu.memory_space<hbm>> -> memref<4x128xi32, #tpu.memory_space<hbm>>
        %dma_start3A_217 = arith.constant 0 : i32
        %dma_start3A_218 = tpu.memref_slice %arg2[%add3A_214, %dma_start3A_217] : memref<6400x128xi32, #tpu.memory_space<hbm>> -> memref<4x128xi32, #tpu.memory_space<hbm>>
        tpu.enqueue_dma source(%dma_start3A_218 : memref<4x128xi32, #tpu.memory_space<hbm>>) target(%arg6 : memref<4x128xi32, #tpu.memory_space<vmem>>) target_semaphore(%arg14 : memref<!tpu.dma_semaphore, #tpu.memory_space<semaphore_mem>>)
      } else {
      }
      %mul3A_123 = arith.constant 4 : i32
      %mul3A_124 = arith.muli %add3A_61, %mul3A_123 : i32
      %add3A_125 = arith.addi %mul3A_2, %mul3A_124 : i32
      %mul3A_126 = arith.constant 128 : i32
      %mul3A_127 = arith.muli %add3A_125, %mul3A_126 : i32
      %dma_start3A_128 = arith.constant 0 : i32
      %dma_start3A_129 = tpu.memref_slice %arg5[%mul3A_127, %dma_start3A_128] : memref<819200x128xf32, #tpu.memory_space<hbm>> -> memref<512x64xf32, #tpu.memory_space<hbm>>
      %dma_start3A_130 = arith.constant 0 : i32
      %dma_start3A_131 = tpu.memref_slice %arg5[%mul3A_127, %dma_start3A_130] : memref<819200x128xf32, #tpu.memory_space<hbm>> -> memref<512x64xf32, #tpu.memory_space<hbm>>
      tpu.enqueue_dma source(%arg8 : memref<512x64xf32, #tpu.memory_space<vmem>>) target(%dma_start3A_131 : memref<512x64xf32, #tpu.memory_space<hbm>>) target_semaphore(%arg13 : memref<!tpu.dma_semaphore, #tpu.memory_space<semaphore_mem>>)
      %mul3A_132 = arith.constant 2 : i32
      %mul3A_133 = arith.muli %scan3A_57, %mul3A_132 : i32
      %add3A_134 = arith.constant 1 : i32
      %add3A_135 = arith.addi %mul3A_133, %add3A_134 : i32
      %lt3A_136 = arith.constant 49 : i32
      %lt3A_137 = arith.cmpi slt, %add3A_135, %lt3A_136 : i32
      %convert_element_type3A_138 = arith.extui %lt3A_137 : i1 to i32
      %cond3A_139 = arith.constant 0 : i32
      %cond3A_140 = arith.cmpi ne, %convert_element_type3A_138, %cond3A_139 : i32
      scf.if %cond3A_140 {
        %dma_wait3A_210 = arith.constant 0 : i32
        %dma_wait3A_211 = arith.constant 0 : i32
        %dma_wait3A_212 = tpu.memref_slice %arg2[%dma_wait3A_210, %dma_wait3A_211] : memref<6400x128xi32, #tpu.memory_space<hbm>> -> memref<4x128xi32, #tpu.memory_space<hbm>>
        %dma_wait3A_213 = arith.constant 0 : i32
        %dma_wait3A_214 = arith.constant 0 : i32
        %dma_wait3A_215 = tpu.memref_slice %arg2[%dma_wait3A_213, %dma_wait3A_214] : memref<6400x128xi32, #tpu.memory_space<hbm>> -> memref<4x128xi32, #tpu.memory_space<hbm>>
        tpu.wait_dma2 semaphore(%arg14 : memref<!tpu.dma_semaphore, #tpu.memory_space<semaphore_mem>>) src(%dma_wait3A_215 : memref<4x128xi32, #tpu.memory_space<hbm>>) dst(%arg6 : memref<4x128xi32, #tpu.memory_space<vmem>>)
      } else {
      }
      %ge3A_141 = arith.constant 1 : i32
      %ge3A_142 = arith.cmpi sge, %add3A_135, %ge3A_141 : i32
      %convert_element_type3A_143 = arith.extui %ge3A_142 : i1 to i32
      %cond3A_144 = arith.constant 0 : i32
      %cond3A_145 = arith.cmpi ne, %convert_element_type3A_143, %cond3A_144 : i32
      scf.if %cond3A_145 {
        %dma_wait3A_210 = arith.constant 0 : i32
        %dma_wait3A_211 = arith.constant 0 : i32
        %dma_wait3A_212 = tpu.memref_slice %arg5[%dma_wait3A_210, %dma_wait3A_211] : memref<819200x128xf32, #tpu.memory_space<hbm>> -> memref<512x64xf32, #tpu.memory_space<hbm>>
        %dma_wait3A_213 = arith.constant 0 : i32
        %dma_wait3A_214 = arith.constant 0 : i32
        %dma_wait3A_215 = tpu.memref_slice %arg5[%dma_wait3A_213, %dma_wait3A_214] : memref<819200x128xf32, #tpu.memory_space<hbm>> -> memref<512x64xf32, #tpu.memory_space<hbm>>
        tpu.wait_dma2 semaphore(%arg13 : memref<!tpu.dma_semaphore, #tpu.memory_space<semaphore_mem>>) src(%arg8 : memref<512x64xf32, #tpu.memory_space<vmem>>) dst(%dma_wait3A_215 : memref<512x64xf32, #tpu.memory_space<hbm>>)
      } else {
      }
      %lt3A_146 = arith.constant 49 : i32
      %lt3A_147 = arith.cmpi slt, %add3A_135, %lt3A_146 : i32
      %convert_element_type3A_148 = arith.extui %lt3A_147 : i1 to i32
      %cond3A_149 = arith.constant 0 : i32
      %cond3A_150 = arith.cmpi ne, %convert_element_type3A_148, %cond3A_149 : i32
      scf.if %cond3A_150 {
        %dma_start3A_210 = arith.constant 0 : i32
        %dma_start3A_211 = arith.constant 0 : i32
        %dma_start3A_212 = arith.constant 0 : i32
        %dma_start3A_213 = tpu.memref_slice %arg8[%dma_start3A_211, %dma_start3A_212] : memref<512x64xf32, #tpu.memory_space<vmem>> -> memref<128x64xf32, #tpu.memory_space<vmem>>
        %dma_start3A_214 = arith.constant 0 : i32
        %dma_start3A_215 = tpu.memref_slice %arg6[%dma_start3A_210, %dma_start3A_214] : memref<4x128xi32, #tpu.memory_space<vmem>> -> memref<1x128xi32, #tpu.memory_space<vmem>>
        %dma_start3A_216 = tpu.memref_squeeze %dma_start3A_215 : memref<1x128xi32, #tpu.memory_space<vmem>> -> memref<128xi32, #tpu.memory_space<vmem>>
        %dma_start3A_217 = arith.constant 0 : i32
        %dma_start3A_218 = arith.constant 0 : i32
        %dma_start3A_219 = tpu.memref_slice %arg3[%dma_start3A_217, %dma_start3A_218] : memref<100000x64xf32, #tpu.memory_space<hbm>> -> memref<100000x64xf32, #tpu.memory_space<hbm>>
        tpu.enqueue_indirect_dma source(%dma_start3A_219 : memref<100000x64xf32, #tpu.memory_space<hbm>>) target(%dma_start3A_213 : memref<128x64xf32, #tpu.memory_space<vmem>>) offsets(%dma_start3A_216 : memref<128xi32, #tpu.memory_space<vmem>>) semaphore(%arg11 : memref<!tpu.dma_semaphore, #tpu.memory_space<semaphore_mem>>)
        %dma_start3A_220 = arith.constant 1 : i32
        %dma_start3A_221 = arith.constant 128 : i32
        %dma_start3A_222 = arith.constant 0 : i32
        %dma_start3A_223 = tpu.memref_slice %arg8[%dma_start3A_221, %dma_start3A_222] : memref<512x64xf32, #tpu.memory_space<vmem>> -> memref<128x64xf32, #tpu.memory_space<vmem>>
        %dma_start3A_224 = arith.constant 0 : i32
        %dma_start3A_225 = tpu.memref_slice %arg6[%dma_start3A_220, %dma_start3A_224] : memref<4x128xi32, #tpu.memory_space<vmem>> -> memref<1x128xi32, #tpu.memory_space<vmem>>
        %dma_start3A_226 = tpu.memref_squeeze %dma_start3A_225 : memref<1x128xi32, #tpu.memory_space<vmem>> -> memref<128xi32, #tpu.memory_space<vmem>>
        %dma_start3A_227 = arith.constant 0 : i32
        %dma_start3A_228 = arith.constant 0 : i32
        %dma_start3A_229 = tpu.memref_slice %arg3[%dma_start3A_227, %dma_start3A_228] : memref<100000x64xf32, #tpu.memory_space<hbm>> -> memref<100000x64xf32, #tpu.memory_space<hbm>>
        tpu.enqueue_indirect_dma source(%dma_start3A_229 : memref<100000x64xf32, #tpu.memory_space<hbm>>) target(%dma_start3A_223 : memref<128x64xf32, #tpu.memory_space<vmem>>) offsets(%dma_start3A_226 : memref<128xi32, #tpu.memory_space<vmem>>) semaphore(%arg11 : memref<!tpu.dma_semaphore, #tpu.memory_space<semaphore_mem>>)
        %dma_start3A_230 = arith.constant 2 : i32
        %dma_start3A_231 = arith.constant 256 : i32
        %dma_start3A_232 = arith.constant 0 : i32
        %dma_start3A_233 = tpu.memref_slice %arg8[%dma_start3A_231, %dma_start3A_232] : memref<512x64xf32, #tpu.memory_space<vmem>> -> memref<128x64xf32, #tpu.memory_space<vmem>>
        %dma_start3A_234 = arith.constant 0 : i32
        %dma_start3A_235 = tpu.memref_slice %arg6[%dma_start3A_230, %dma_start3A_234] : memref<4x128xi32, #tpu.memory_space<vmem>> -> memref<1x128xi32, #tpu.memory_space<vmem>>
        %dma_start3A_236 = tpu.memref_squeeze %dma_start3A_235 : memref<1x128xi32, #tpu.memory_space<vmem>> -> memref<128xi32, #tpu.memory_space<vmem>>
        %dma_start3A_237 = arith.constant 0 : i32
        %dma_start3A_238 = arith.constant 0 : i32
        %dma_start3A_239 = tpu.memref_slice %arg3[%dma_start3A_237, %dma_start3A_238] : memref<100000x64xf32, #tpu.memory_space<hbm>> -> memref<100000x64xf32, #tpu.memory_space<hbm>>
        tpu.enqueue_indirect_dma source(%dma_start3A_239 : memref<100000x64xf32, #tpu.memory_space<hbm>>) target(%dma_start3A_233 : memref<128x64xf32, #tpu.memory_space<vmem>>) offsets(%dma_start3A_236 : memref<128xi32, #tpu.memory_space<vmem>>) semaphore(%arg11 : memref<!tpu.dma_semaphore, #tpu.memory_space<semaphore_mem>>)
        %dma_start3A_240 = arith.constant 3 : i32
        %dma_start3A_241 = arith.constant 384 : i32
        %dma_start3A_242 = arith.constant 0 : i32
        %dma_start3A_243 = tpu.memref_slice %arg8[%dma_start3A_241, %dma_start3A_242] : memref<512x64xf32, #tpu.memory_space<vmem>> -> memref<128x64xf32, #tpu.memory_space<vmem>>
        %dma_start3A_244 = arith.constant 0 : i32
        %dma_start3A_245 = tpu.memref_slice %arg6[%dma_start3A_240, %dma_start3A_244] : memref<4x128xi32, #tpu.memory_space<vmem>> -> memref<1x128xi32, #tpu.memory_space<vmem>>
        %dma_start3A_246 = tpu.memref_squeeze %dma_start3A_245 : memref<1x128xi32, #tpu.memory_space<vmem>> -> memref<128xi32, #tpu.memory_space<vmem>>
        %dma_start3A_247 = arith.constant 0 : i32
        %dma_start3A_248 = arith.constant 0 : i32
        %dma_start3A_249 = tpu.memref_slice %arg3[%dma_start3A_247, %dma_start3A_248] : memref<100000x64xf32, #tpu.memory_space<hbm>> -> memref<100000x64xf32, #tpu.memory_space<hbm>>
        tpu.enqueue_indirect_dma source(%dma_start3A_249 : memref<100000x64xf32, #tpu.memory_space<hbm>>) target(%dma_start3A_243 : memref<128x64xf32, #tpu.memory_space<vmem>>) offsets(%dma_start3A_246 : memref<128xi32, #tpu.memory_space<vmem>>) semaphore(%arg11 : memref<!tpu.dma_semaphore, #tpu.memory_space<semaphore_mem>>)
      } else {
      }
      %dma_wait3A_151 = arith.constant 0 : i32
      %dma_wait3A_152 = arith.constant 0 : i32
      %dma_wait3A_153 = arith.constant 0 : i32
      %dma_wait3A_154 = tpu.memref_slice %arg9[%dma_wait3A_152, %dma_wait3A_153] : memref<512x64xf32, #tpu.memory_space<vmem>> -> memref<128x64xf32, #tpu.memory_space<vmem>>
      %dma_wait3A_155 = arith.constant 0 : i32
      %dma_wait3A_156 = tpu.memref_slice %arg7[%dma_wait3A_151, %dma_wait3A_155] : memref<4x128xi32, #tpu.memory_space<vmem>> -> memref<1x128xi32, #tpu.memory_space<vmem>>
      %dma_wait3A_157 = tpu.memref_squeeze %dma_wait3A_156 : memref<1x128xi32, #tpu.memory_space<vmem>> -> memref<128xi32, #tpu.memory_space<vmem>>
      %dma_wait3A_158 = arith.constant 0 : i32
      %dma_wait3A_159 = arith.constant 0 : i32
      %dma_wait3A_160 = tpu.memref_slice %arg3[%dma_wait3A_158, %dma_wait3A_159] : memref<100000x64xf32, #tpu.memory_space<hbm>> -> memref<100000x64xf32, #tpu.memory_space<hbm>>
      tpu.wait_indirect_dma semaphore(%arg12 : memref<!tpu.dma_semaphore, #tpu.memory_space<semaphore_mem>>) src(%dma_wait3A_160 : memref<100000x64xf32, #tpu.memory_space<hbm>>) dst(%dma_wait3A_154 : memref<128x64xf32, #tpu.memory_space<vmem>>)
      %dma_wait3A_161 = arith.constant 1 : i32
      %dma_wait3A_162 = arith.constant 128 : i32
      %dma_wait3A_163 = arith.constant 0 : i32
      %dma_wait3A_164 = tpu.memref_slice %arg9[%dma_wait3A_162, %dma_wait3A_163] : memref<512x64xf32, #tpu.memory_space<vmem>> -> memref<128x64xf32, #tpu.memory_space<vmem>>
      %dma_wait3A_165 = arith.constant 0 : i32
      %dma_wait3A_166 = tpu.memref_slice %arg7[%dma_wait3A_161, %dma_wait3A_165] : memref<4x128xi32, #tpu.memory_space<vmem>> -> memref<1x128xi32, #tpu.memory_space<vmem>>
      %dma_wait3A_167 = tpu.memref_squeeze %dma_wait3A_166 : memref<1x128xi32, #tpu.memory_space<vmem>> -> memref<128xi32, #tpu.memory_space<vmem>>
      %dma_wait3A_168 = arith.constant 0 : i32
      %dma_wait3A_169 = arith.constant 0 : i32
      %dma_wait3A_170 = tpu.memref_slice %arg3[%dma_wait3A_168, %dma_wait3A_169] : memref<100000x64xf32, #tpu.memory_space<hbm>> -> memref<100000x64xf32, #tpu.memory_space<hbm>>
      tpu.wait_indirect_dma semaphore(%arg12 : memref<!tpu.dma_semaphore, #tpu.memory_space<semaphore_mem>>) src(%dma_wait3A_170 : memref<100000x64xf32, #tpu.memory_space<hbm>>) dst(%dma_wait3A_164 : memref<128x64xf32, #tpu.memory_space<vmem>>)
      %dma_wait3A_171 = arith.constant 2 : i32
      %dma_wait3A_172 = arith.constant 256 : i32
      %dma_wait3A_173 = arith.constant 0 : i32
      %dma_wait3A_174 = tpu.memref_slice %arg9[%dma_wait3A_172, %dma_wait3A_173] : memref<512x64xf32, #tpu.memory_space<vmem>> -> memref<128x64xf32, #tpu.memory_space<vmem>>
      %dma_wait3A_175 = arith.constant 0 : i32
      %dma_wait3A_176 = tpu.memref_slice %arg7[%dma_wait3A_171, %dma_wait3A_175] : memref<4x128xi32, #tpu.memory_space<vmem>> -> memref<1x128xi32, #tpu.memory_space<vmem>>
      %dma_wait3A_177 = tpu.memref_squeeze %dma_wait3A_176 : memref<1x128xi32, #tpu.memory_space<vmem>> -> memref<128xi32, #tpu.memory_space<vmem>>
      %dma_wait3A_178 = arith.constant 0 : i32
      %dma_wait3A_179 = arith.constant 0 : i32
      %dma_wait3A_180 = tpu.memref_slice %arg3[%dma_wait3A_178, %dma_wait3A_179] : memref<100000x64xf32, #tpu.memory_space<hbm>> -> memref<100000x64xf32, #tpu.memory_space<hbm>>
      tpu.wait_indirect_dma semaphore(%arg12 : memref<!tpu.dma_semaphore, #tpu.memory_space<semaphore_mem>>) src(%dma_wait3A_180 : memref<100000x64xf32, #tpu.memory_space<hbm>>) dst(%dma_wait3A_174 : memref<128x64xf32, #tpu.memory_space<vmem>>)
      %dma_wait3A_181 = arith.constant 3 : i32
      %dma_wait3A_182 = arith.constant 384 : i32
      %dma_wait3A_183 = arith.constant 0 : i32
      %dma_wait3A_184 = tpu.memref_slice %arg9[%dma_wait3A_182, %dma_wait3A_183] : memref<512x64xf32, #tpu.memory_space<vmem>> -> memref<128x64xf32, #tpu.memory_space<vmem>>
      %dma_wait3A_185 = arith.constant 0 : i32
      %dma_wait3A_186 = tpu.memref_slice %arg7[%dma_wait3A_181, %dma_wait3A_185] : memref<4x128xi32, #tpu.memory_space<vmem>> -> memref<1x128xi32, #tpu.memory_space<vmem>>
      %dma_wait3A_187 = tpu.memref_squeeze %dma_wait3A_186 : memref<1x128xi32, #tpu.memory_space<vmem>> -> memref<128xi32, #tpu.memory_space<vmem>>
      %dma_wait3A_188 = arith.constant 0 : i32
      %dma_wait3A_189 = arith.constant 0 : i32
      %dma_wait3A_190 = tpu.memref_slice %arg3[%dma_wait3A_188, %dma_wait3A_189] : memref<100000x64xf32, #tpu.memory_space<hbm>> -> memref<100000x64xf32, #tpu.memory_space<hbm>>
      tpu.wait_indirect_dma semaphore(%arg12 : memref<!tpu.dma_semaphore, #tpu.memory_space<semaphore_mem>>) src(%dma_wait3A_190 : memref<100000x64xf32, #tpu.memory_space<hbm>>) dst(%dma_wait3A_184 : memref<128x64xf32, #tpu.memory_space<vmem>>)
      %scan3A_191 = arith.constant 0 : i32
      %scan3A_192 = arith.constant 32 : i32
      %scan3A_193 = arith.addi %scan3A_191, %scan3A_192 : i32
      %scan3A_194 = arith.constant 1 : i32
      scf.for %scan3A_210 = %scan3A_191 to %scan3A_193 step %scan3A_194  : i32 {
        %jit3A = arith.constant 8 : i32
        %div3A = arith.divsi %scan3A_210, %jit3A : i32
        %sign3A = arith.constant 0 : i32
        %sign3A_211 = arith.cmpi sgt, %scan3A_210, %sign3A : i32
        %sign3A_212 = arith.extui %sign3A_211 : i1 to i32
        %sign3A_213 = arith.constant 0 : i32
        %sign3A_214 = arith.cmpi slt, %scan3A_210, %sign3A_213 : i32
        %sign3A_215 = arith.extui %sign3A_214 : i1 to i32
        %sign3A_216 = arith.subi %sign3A_212, %sign3A_215 : i32
        %sign3A_217 = arith.constant 0 : i32
        %sign3A_218 = arith.cmpi sgt, %jit3A, %sign3A_217 : i32
        %sign3A_219 = arith.extui %sign3A_218 : i1 to i32
        %sign3A_220 = arith.constant 0 : i32
        %sign3A_221 = arith.cmpi slt, %jit3A, %sign3A_220 : i32
        %sign3A_222 = arith.extui %sign3A_221 : i1 to i32
        %sign3A_223 = arith.subi %sign3A_219, %sign3A_222 : i32
        %ne3A = arith.cmpi ne, %sign3A_216, %sign3A_223 : i32
        %rem3A = arith.remsi %scan3A_210, %jit3A : i32
        %ne3A_224 = arith.constant 0 : i32
        %ne3A_225 = arith.cmpi ne, %rem3A, %ne3A_224 : i32
        %and3A = arith.andi %ne3A, %ne3A_225 : i1
        %sub3A = arith.constant 1 : i32
        %sub3A_226 = arith.subi %div3A, %sub3A : i32
        %select_n3A = arith.select %and3A, %sub3A_226, %div3A : i32
        %jit3A_227 = arith.constant 8 : i32
        %eq3A = arith.constant 0 : i32
        %eq3A_228 = arith.cmpi eq, %jit3A_227, %eq3A : i32
        %jit3A_229 = arith.constant 1 : i32
        %select_n3A_230 = arith.select %eq3A_228, %jit3A_229, %jit3A_227 : i32
        %rem3A_231 = arith.remsi %scan3A_210, %select_n3A_230 : i32
        %ne3A_232 = arith.constant 0 : i32
        %ne3A_233 = arith.cmpi ne, %rem3A_231, %ne3A_232 : i32
        %lt3A_234 = arith.constant 0 : i32
        %lt3A_235 = arith.cmpi slt, %rem3A_231, %lt3A_234 : i32
        %lt3A_236 = arith.constant 0 : i32
        %lt3A_237 = arith.cmpi slt, %select_n3A_230, %lt3A_236 : i32
        %ne3A_238 = arith.xori %lt3A_235, %lt3A_237 : i1
        %and3A_239 = arith.andi %ne3A_238, %ne3A_233 : i1
        %add3A_240 = arith.addi %rem3A_231, %select_n3A_230 : i32
        %select_n3A_241 = arith.select %and3A_239, %add3A_240, %rem3A_231 : i32
        %mul3A_242 = arith.constant 16 : i32
        %mul3A_243 = arith.muli %select_n3A_241, %mul3A_242 : i32
        %get3A = arith.index_cast %select_n3A : i32 to index
        %get3A_244 = arith.index_cast %mul3A_243 : i32 to index
        %get3A_245 = tpu.vector_load %arg7[%get3A, %get3A_244] {strides = array<i32>} : memref<4x128xi32, #tpu.memory_space<vmem>>, vector<16xi32>,
        %sub3A_246 = arith.constant 32000 : i32
        %sub3A_247 = vector.broadcast %sub3A_246 : i32 to vector<16xi32>
        %sub3A_248 = arith.subi %get3A_245, %sub3A_247 : vector<16xi32>
        %ge3A_249 = arith.constant 0 : i32
        %ge3A_250 = vector.broadcast %ge3A_249 : i32 to vector<16xi32>
        %ge3A_251 = arith.cmpi sge, %sub3A_248, %ge3A_250 : vector<16xi32>
        %lt3A_252 = arith.constant 16 : i32
        %lt3A_253 = vector.broadcast %lt3A_252 : i32 to vector<16xi32>
        %lt3A_254 = arith.cmpi slt, %sub3A_248, %lt3A_253 : vector<16xi32>
        %and3A_255 = arith.andi %ge3A_251, %lt3A_254 : vector<16xi1>
        %reduce_or3A = arith.constant 1.000000e+00 : f32
        %reduce_or3A_256 = arith.constant 0.000000e+00 : f32
        %reduce_or3A_257 = vector.broadcast %reduce_or3A : f32 to vector<16xf32>
        %reduce_or3A_258 = vector.broadcast %reduce_or3A_256 : f32 to vector<16xf32>
        %reduce_or3A_259 = arith.select %and3A_255, %reduce_or3A_257, %reduce_or3A_258 : vector<16xi1>, vector<16xf32>
        %reduce_or3A_260 = arith.constant true
        %reduce_or3A_261 = vector.broadcast %reduce_or3A_260 : i1 to vector<16xi1>
        %reduce_or3A_262 = tpu.scan <max>, %reduce_or3A_259 masked %reduce_or3A_261 : vector<16xf32>, vector<16xi1> -> vector<16xf32>
        %reduce_or3A_263 = vector.extract %reduce_or3A_262[15] : f32 from vector<16xf32>
        %reduce_or3A_264 = arith.constant 0.000000e+00 : f32
        %reduce_or3A_265 = arith.cmpf ogt, %reduce_or3A_263, %reduce_or3A_264 : f32
        %convert_element_type3A_266 = arith.extui %reduce_or3A_265 : i1 to i32
        %cond3A_267 = arith.constant 0 : i32
        %cond3A_268 = arith.cmpi ne, %convert_element_type3A_266, %cond3A_267 : i32
        scf.if %cond3A_268 {
          %jit3A_269 = arith.constant 0 : i32
          %broadcast_in_dim3A = vector.broadcast %jit3A_269 : i32 to vector<16xi32>
          %select_n3A_270 = arith.select %and3A_255, %sub3A_248, %broadcast_in_dim3A : vector<16xi1>, vector<16xi32>
          %mul3A_271 = arith.constant 16 : i32
          %mul3A_272 = arith.muli %scan3A_210, %mul3A_271 : i32
          %add3A_273 = vector.broadcast %mul3A_272 : i32 to vector<16xi32>
          %add3A_274 = arith.addi %add3A_273, %iota3A : vector<16xi32>
          %scan3A_275 = arith.constant 0 : i32
          %scan3A_276 = arith.constant 64 : i32
          %scan3A_277 = arith.addi %scan3A_275, %scan3A_276 : i32
          %scan3A_278 = arith.constant 1 : i32
          scf.for %scan3A_280 = %scan3A_275 to %scan3A_277 step %scan3A_278  : i32 {
            %mul3A_281 = arith.constant 16 : i32
            %mul3A_282 = arith.muli %scan3A_280, %mul3A_281 : i32
            %add3A_283 = vector.broadcast %mul3A_282 : i32 to vector<16xi32>
            %add3A_284 = arith.addi %add3A_283, %select_n3A_270 : vector<16xi32>
            %gather3A = tpu.vector_load_idx %arg10[%add3A_284] masked %and3A_255 : memref<1024xf32, #tpu.memory_space<vmem>>[vector<16xi32>], vector<16xf32>, vector<16xi1>
            %broadcast_in_dim3A_285 = arith.constant 1 : i32
            %broadcast_in_dim3A_286 = vector.broadcast %broadcast_in_dim3A_285 : i32 to vector<16xi32>
            %mul3A_287 = vector.broadcast %scan3A_280 : i32 to vector<16xi32>
            %mul3A_288 = arith.muli %broadcast_in_dim3A_286, %mul3A_287 : vector<16xi32>
            tpu.vector_store_idx %arg9[%add3A_274, %mul3A_288], %gather3A masked %and3A_255 {add = true} : memref<512x64xf32, #tpu.memory_space<vmem>>[vector<16xi32>, vector<16xi32>], vector<16xf32>, vector<16xi1>
          }
          %scan3A_279 = arith.constant 64 : i32
        } else {
        }
      }
      %scan3A_195 = arith.constant 32 : i32
      %lt3A_196 = arith.constant 48 : i32
      %lt3A_197 = arith.cmpi slt, %add3A_135, %lt3A_196 : i32
      %convert_element_type3A_198 = arith.extui %lt3A_197 : i1 to i32
      %cond3A_199 = arith.constant 0 : i32
      %cond3A_200 = arith.cmpi ne, %convert_element_type3A_198, %cond3A_199 : i32
      scf.if %cond3A_200 {
        %add3A_210 = arith.constant 2 : i32
        %add3A_211 = arith.addi %add3A_135, %add3A_210 : i32
        %mul3A_212 = arith.constant 4 : i32
        %mul3A_213 = arith.muli %add3A_211, %mul3A_212 : i32
        %add3A_214 = arith.addi %mul3A_2, %mul3A_213 : i32
        %dma_start3A_215 = arith.constant 0 : i32
        %dma_start3A_216 = tpu.memref_slice %arg2[%add3A_214, %dma_start3A_215] : memref<6400x128xi32, #tpu.memory_space<hbm>> -> memref<4x128xi32, #tpu.memory_space<hbm>>
        %dma_start3A_217 = arith.constant 0 : i32
        %dma_start3A_218 = tpu.memref_slice %arg2[%add3A_214, %dma_start3A_217] : memref<6400x128xi32, #tpu.memory_space<hbm>> -> memref<4x128xi32, #tpu.memory_space<hbm>>
        tpu.enqueue_dma source(%dma_start3A_218 : memref<4x128xi32, #tpu.memory_space<hbm>>) target(%arg7 : memref<4x128xi32, #tpu.memory_space<vmem>>) target_semaphore(%arg14 : memref<!tpu.dma_semaphore, #tpu.memory_space<semaphore_mem>>)
      } else {
      }
      %mul3A_201 = arith.constant 4 : i32
      %mul3A_202 = arith.muli %add3A_135, %mul3A_201 : i32
      %add3A_203 = arith.addi %mul3A_2, %mul3A_202 : i32
      %mul3A_204 = arith.constant 128 : i32
      %mul3A_205 = arith.muli %add3A_203, %mul3A_204 : i32
      %dma_start3A_206 = arith.constant 0 : i32
      %dma_start3A_207 = tpu.memref_slice %arg5[%mul3A_205, %dma_start3A_206] : memref<819200x128xf32, #tpu.memory_space<hbm>> -> memref<512x64xf32, #tpu.memory_space<hbm>>
      %dma_start3A_208 = arith.constant 0 : i32
      %dma_start3A_209 = tpu.memref_slice %arg5[%mul3A_205, %dma_start3A_208] : memref<819200x128xf32, #tpu.memory_space<hbm>> -> memref<512x64xf32, #tpu.memory_space<hbm>>
      tpu.enqueue_dma source(%arg9 : memref<512x64xf32, #tpu.memory_space<vmem>>) target(%dma_start3A_209 : memref<512x64xf32, #tpu.memory_space<hbm>>) target_semaphore(%arg13 : memref<!tpu.dma_semaphore, #tpu.memory_space<semaphore_mem>>)
    }
    %scan3A_51 = arith.constant 25 : i32
    %dma_wait3A = arith.constant 0 : i32
    %dma_wait3A_52 = arith.constant 0 : i32
    %dma_wait3A_53 = tpu.memref_slice %arg5[%dma_wait3A, %dma_wait3A_52] : memref<819200x128xf32, #tpu.memory_space<hbm>> -> memref<512x64xf32, #tpu.memory_space<hbm>>
    %dma_wait3A_54 = arith.constant 0 : i32
    %dma_wait3A_55 = arith.constant 0 : i32
    %dma_wait3A_56 = tpu.memref_slice %arg5[%dma_wait3A_54, %dma_wait3A_55] : memref<819200x128xf32, #tpu.memory_space<hbm>> -> memref<512x64xf32, #tpu.memory_space<hbm>>
    tpu.wait_dma2 semaphore(%arg13 : memref<!tpu.dma_semaphore, #tpu.memory_space<semaphore_mem>>) src(%arg9 : memref<512x64xf32, #tpu.memory_space<vmem>>) dst(%dma_wait3A_56 : memref<512x64xf32, #tpu.memory_space<hbm>>)
    return
  }
}

</mosaic_0001>

<sc_bundles>
// kernel: kernel.3.cloned.1.call-start
scs
__scs_entry_jumppad:
0x0: {  	(pc) =	sbr.rel $0x88, $3  }
0x1: {  	(tag) =	ssettag $0x0;
	lr =	simm.s32 $0x1  }
0x2: {  	[smem:$0x3F9E] =	sst lr;
	_ =	strace $0xD0000000  }
0x3: {  	_ = 	snop  }
0x4: {  	_ = 	snop  }
0x5: {  	_ = 	snop  }
0x6: {  	_ = 	snop  }
0x7: {  	_ = 	snop  }
__scs_overlays_trampoline_lowered:
0x8: {  	[smem:$0x3FAD] =	sst s0  }
0x9: {  	[smem:$0x3FAE] =	sst s1  }
0xa: {  	[smem:$0x3FAF] =	sst s2  }
0xb: {  	[smem:$0x3FB0] =	sst s3  }
0xc: {  	[smem:$0x3FB1] =	sst s4  }
0xd: {  	[smem:$0x3FB2] =	sst s5  }
0xe: {  	[smem:$0x3FB3] =	sst s6  }
0xf: {  	[smem:$0x3FB4] =	sst s7  }
0x10: {  	[smem:$0x3FB5] =	sst s8  }
0x11: {  	[smem:$0x3FB6] =	sst s9;
	s0 =	simm.s32 @!p0 $0x0  }
0x12: {  	s1 =	sld [smem:$0x3F9C];
	s0 =	simm.s32 @p0 $0x1  }
0x13: {  	[smem:$0x3FB7] =	sst s0;
	s0 =	simm.s32 @!p1 $0x0  }
0x14: {  	s2 =	sld [smem:$0x3F9B];
	s0 =	simm.s32 @p1 $0x1  }
0x15: {  	[smem:$0x3FB8] =	sst s0;
	s0 =	simm.s32 @!p2 $0x0  }
0x16: {  	s3 =	sld [smem:$0x3FDB];
	s0 =	simm.s32 @p2 $0x1  }
0x17: {  	s4 =	simm.s32 $0x1BF5;
	[smem:$0x3FBA] =	sst s0  }
0x18: {  	s0 =	sld [smem:$0x3F9D];
	_ =	swait.ge [sflag:s4], $0x0  }
0x19: {  	s7 =	sld [smem:$0x3F9E]  }
0x1a: {  	s8 =	sadd.s32 $0xFFFFE003, lr  }
0x1b: {  	s9 =	sadd.s32 $0xFFFFFEF7, lr;
	s5 =	simm.s32 $0xFFFFFFFF;
	p2 =	slt.u32 s8, $0xFFFFF086  }
0x1c: {  	p1 =	slt.u32 s9, $0xF7A;
	s5 =	simm.s32 @!p2 $0x0  }
0x1d: {  	s5 =	simm.s32 @p1 $0x1;
	p0 =	seq.s32 s7, s2  }
0x1e: {  	s7 =	smul.u32 @!p0 $0xF7A, s2;
	p2 =	seq.s32 @!p0 s5, $0x0  }
0x1f: {  	s9 =	smul.u32 $0xF7A, s1;
	s8 =	simm.s32 @!p0 $0x1BF5;
	p2 =	por !p2, p0  }
0x20: {  	[sflag:s8] =	ssyncset.s32 @!p0 $0xFFFFF086;
	s6 =	sadd.s32 @!p0 s3, s7;
	s7 =	simm.s32 @!p0 $0x108  }
0x21: {  	s3 =	sadd.s32 s3, s9;
	s6 =	sadd.s32 @!p0 $0x88, s6;
	s7 =	simm.s32 @p2 $0x1082  }
0x22: {  	[simem:s7], [sflag:s8] =	dma.local @!p0 [hbm:s6], $0xF7A  }
0x23: {  	s9 =	sor.u32 $0xD0000000, s2;
	s6 =	simm.s32 $0x108;
	_ =	swait.ge @!p0 [sflag:s8], $0x0  }
0x24: {  	s3 =	sadd.s32 $0x88, s3;
	s6 =	simm.s32 @!p1 $0x1082;
	[sflag:s4] =	ssyncset.s32 $0xFFFFF086  }
0x25: {  	[simem:s6], [sflag:s4] =	dma.local [hbm:s3], $0xF7A  }
0x26: {  	[smem:$0x3F9E] =	sst s1;
	(tag) =	ssettag s2;
	_ =	strace s9  }
0x27: {  	s1 =	sld [smem:$0x3FAE]  }
0x28: {  	s2 =	sld [smem:$0x3FAF]  }
0x29: {  	s4 =	sld [smem:$0x3FB1]  }
0x2a: {  	p0 =	seq.s32 s5, $0x0;
	s5 =	sld [smem:$0x3FB2]  }
0x2b: {  	s6 =	sld [smem:$0x3FB3]  }
0x2c: {  	s7 =	sld [smem:$0x3FB4]  }
0x2d: {  	s3 =	simm.s32 $0x108;
	s8 =	sld [smem:$0x3FB5]  }
0x2e: {  	s3 =	simm.s32 @!p0 $0x1082;
	s9 =	sld [smem:$0x3FB6]  }
0x2f: {  	lr =	sadd.s32 s0, s3;
	s0 =	sld [smem:$0x3FAD]  }
0x30: {  	s3 =	sld [smem:$0x3FB0]  }
0x31: {  	[smem:$0x3FB9] =	sst s10  }
0x32: {  	s10 =	sld [smem:$0x3FB7];
	_ =	sdelay $0x3  }
0x33: {  	p0 =	seq.s32 s10, $0x1;
	s10 =	sld [smem:$0x3FB9];
	_ =	sdelay $0x3  }
0x34: {  	[smem:$0x3FB9] =	sst s10  }
0x35: {  	s10 =	sld [smem:$0x3FB8];
	_ =	sdelay $0x3  }
0x36: {  	p1 =	seq.s32 s10, $0x1;
	s10 =	sld [smem:$0x3FB9];
	_ =	sdelay $0x3  }
0x37: {  	[smem:$0x3FB9] =	sst s10  }
0x38: {  	s10 =	sld [smem:$0x3FBA]  }
0x39: {  	_ = 	snop;
	(pc) =	sbr.ind lr, $3  }
0x3a: {  	_ = 	snop  }
0x3b: {  	_ = 	snop  }
0x3c: {  	p2 =	seq.s32 s10, $0x1;
	s10 =	sld [smem:$0x3FB9]  }
0x3d: {  	_ =	shalt  }
0x3e: {  	_ =	shalt  }
0x3f: {  	_ =	shalt  }
0x40: {  	_ =	shalt  }
0x41: {  	_ =	shalt  }
0x42: {  	_ =	shalt  }
0x43: {  	_ =	shalt  }
0x44: {  	_ =	shalt  }
0x45: {  	_ =	shalt  }
0x46: {  	_ =	shalt  }
0x47: {  	_ =	shalt  }
0x48: {  	_ =	shalt  }
0x49: {  	_ =	shalt  }
0x4a: {  	_ =	shalt  }
0x4b: {  	_ =	shalt  }
0x4c: {  	_ =	shalt  }
0x4d: {  	_ =	shalt  }
0x4e: {  	_ =	shalt  }
0x4f: {  	_ =	shalt  }
0x50: {  	_ =	shalt  }
0x51: {  	_ =	shalt  }
0x52: {  	_ =	shalt  }
0x53: {  	_ =	shalt  }
0x54: {  	_ =	shalt  }
0x55: {  	_ =	shalt  }
0x56: {  	_ =	shalt  }
0x57: {  	_ =	shalt  }
0x58: {  	_ =	shalt  }
0x59: {  	_ =	shalt  }
0x5a: {  	_ =	shalt  }
0x5b: {  	_ =	shalt  }
0x5c: {  	_ =	shalt  }
0x5d: {  	_ =	shalt  }
0x5e: {  	_ =	shalt  }
0x5f: {  	_ =	shalt  }
0x60: {  	_ =	shalt  }
0x61: {  	_ =	shalt  }
0x62: {  	_ =	shalt  }
0x63: {  	_ =	shalt  }
0x64: {  	_ =	shalt  }
0x65: {  	_ =	shalt  }
0x66: {  	_ =	shalt  }
0x67: {  	_ =	shalt  }
0x68: {  	_ =	shalt  }
0x69: {  	_ =	shalt  }
0x6a: {  	_ =	shalt  }
0x6b: {  	_ =	shalt  }
0x6c: {  	_ =	shalt  }
0x6d: {  	_ =	shalt  }
0x6e: {  	_ =	shalt  }
0x6f: {  	_ =	shalt  }
0x70: {  	_ =	shalt  }
0x71: {  	_ =	shalt  }
0x72: {  	_ =	shalt  }
0x73: {  	_ =	shalt  }
0x74: {  	_ =	shalt  }
0x75: {  	_ =	shalt  }
0x76: {  	_ =	shalt  }
0x77: {  	_ =	shalt  }
0x78: {  	_ =	shalt  }
0x79: {  	_ =	shalt  }
0x7a: {  	_ =	shalt  }
0x7b: {  	_ =	shalt  }
0x7c: {  	_ =	shalt  }
0x7d: {  	_ =	shalt  }
0x7e: {  	_ =	shalt  }
0x7f: {  	_ =	shalt  }
0x80: {  	_ =	shalt  }
0x81: {  	_ =	shalt  }
0x82: {  	_ =	shalt  }
0x83: {  	_ =	shalt  }
0x84: {  	_ =	shalt  }
0x85: {  	_ =	shalt  }
0x86: {  	_ =	shalt  }
0x87: {  	_ =	shalt  }
.Lfunc_end0:
.L_simem_size_0:
called_computation.1_lowered:
.L_overlay_start_0:
0x88: {  	s2 =	sld [smem:$0x3FD9]  }
0x89: {  	s3 =	sld [smem:$0x3FFE];
	_ =	sdelay $0x1  }
0x8a: {  	s1 =	srdreg.scid  }
0x8b: {  	s0 =	sand.u32 $0x1, s1  }
0x8c: {  	s17 =	sshll.u32 s0, $0xA;
	s2 =	sadd.s32 s3, s2  }
0x8d: {  	s2 =	sadd.s32 s2, s17  }
0x8e: {  	[smem:$0x3FC5] =	sst s2  }
0x8f: {  	_ = 	snop  }
0x90: {  	s2 =	sld [smem:$0x3FC7];
	(tm) =	ssettm $0x1  }
0x91: {  	s18 =	sld [smem:$0x3FFB];
	_ =	sdelay $0x3  }
0x92: {  	_ =	strace s18  }
0x93: {  	s3 =	sld [smem:$0x3FFC];
	_ =	sdelay $0x3  }
0x94: {  	_ =	strace s3  }
0x95: {  	s3 =	sld [smem:$0x3FFD];
	_ =	sdelay $0x3  }
0x96: {  	_ =	strace s3  }
0x97: {  	_ =	strace $0x8FFFFFFF  }
0x98: {  	s19 =	sld [smem:$0x3FDB];
	_ =	sdelay $0x1  }
0x99: {  	s4 =	simm.s32 $_scs_section_size  }
0x9a: {  	s5 =	simm.s32 $_size__tile_overlayer_lowered;
	s6 =	simm.s32 $_tile_overlayer_lowered  }
0x9b: {  	s22 =	simm.s32 $0x1BFF;
	s21 =	sshll.u32 s6, $0x1;
	s3 =	sadd.s32 s4, s19  }
0x9c: {  	s7 =	simm.s32 $0x0;
	s20 =	sshll.u32 s5, $0x1;
	s5 =	sadd.s32 s21, s3  }
0x9d: {  	[timem:s7], [sflag:s22] =	dma.local [hbm:s5], s20  }
0x9e: {  	_ =	swait.ge [sflag:s22], s20  }
0x9f: {  	s4 =	ssub.s32 $0x0, s20;
	[sflag:s22] =	ssyncset.done $0x0  }
0xa0: {  	[sflag:s22] =	ssyncadd.s32 s4;
	_ =	sdelay $0x1  }
0xa1: {  	s23 =	simm.s32 $0x1B8B  }
0xa2: {  	_ =	swait.ge [sflag:s23], $0x1  }
0xa3: {  	[sflag:s23] =	ssyncset.done $0x0  }
0xa4: {  	s25 =	simm.s32 $0x1B8E;
	s24 =	sld [smem:$0x3FFE];
	[sflag:s23] =	ssyncadd.s32 $0xFFFFFFFF  }
0xa5: {  	s26 =	simm.s32 $execute0_lowered;
	[smem:$0x3FD2] =	sst s25  }
0xa6: {  	s5 =	sshll.u32 s26, $0x1;
	_ =	strace $0x80000046;
	[dreg:$0x1] =	wrdreg $0xFFFFFFFF  }
0xa7: {  	s28 =	simm.s32 $_size_execute0_lowered;
	s3 =	sadd.s32 s3, s5;
	[dreg:$0x0] =	wrdreg $0x0  }
0xa8: {  	s5 =	sshll.u32 s28, $0x1;
	[dreg:$0x2] =	wrdreg s3  }
0xa9: {  	[dreg:$0x3] =	wrdreg s5  }
0xaa: {  	[dreg:$0x4] =	wrdreg $0xC0  }
0xab: {  	_ =	task [dreg:s7], $0x5FFFF  }
0xac: {  	[dreg:$0x1] =	wrdreg $0xFFFFFFFF  }
0xad: {  	[dreg:$0x0] =	wrdreg $0x60  }
0xae: {  	[dreg:$0x2] =	wrdreg s24  }
0xaf: {  	[dreg:$0x3] =	wrdreg s2  }
0xb0: {  	[dreg:$0x4] =	wrdreg $0x9  }
0xb1: {  	_ =	task.clear_ibuf [dreg:s7], $0x5FFFF;
	_ =	strace $0x90000046  }
0xb2: {  	s29 =	simm.s32 $0x9;
	_ =	strace $0x80000048  }
0xb3: {  	_ =	swait.ge [sflag:s29], $0x1  }
0xb4: {  	[sflag:s29] =	ssyncadd.s32 $0xFFFFFFFF  }
0xb5: {  	_ =	strace $0x90000048  }
0xb6: {  	_ =	sfence  }
0xb7: {  	s30 =	sld [smem:$0x0];
	_ =	sdelay $0x2  }
0xb8: {  	s31 =	sshll.u32 s1, $0xD;
	s1 =	sshrl.u32 s1, $0x2  }
0xb9: {  	s3 =	sand.u32 $0x4000, s31;
	s1 =	sadd.s32 s1, s30  }
0xba: {  	s0 =	sor.u32 s3, s0;
	s1 =	sshll.u32 s1, $0x11  }
0xbb: {  	s0 =	sor.u32 s1, s0  }
0xbc: {  	s0 =	sadd.s32 $0x8F2B, s0  }
0xbd: {  	[sflag:s0] =	ssyncadd.remote.s32 $0x1  }
0xbe: {  	_ =	sfence.sel $0xFFFF  }
0xbf: {  	[dreg:$0x0] =	wrdreg $0xFFFFFFFF;
	(pc) =	sbr.abs _section_cstart, $3  }
0xc0: {  	[dreg:$0x1] =	wrdreg $0xFFFFFFFF  }
0xc1: {  	_ =	task.clear_ibuf [dreg:s7], $0x2FFFF;
	_ =	strace $0x9FFFFFFF  }
0xc2: {  	(tm) =	ssettm $0x7FFFFFFF  }
0xc3: {  	_ =	shalt  }
tec
execute0_lowered:
.L_overlay_start_1:
0x0: {  	(tag) =	ssettag $0x1  }
0x1: {  	s0 =	srdreg.scid  }
0x2: {  	s2 =	stileid.u32;
	s1 =	rddreg [dreg:$0x0];
	s3 =	simm.s32 $0x0  }
0x3: {  	s12 =	simm.s32 $0x10400;
	s13 =	simm.s32 $0x5;
	s14 =	simm.s32 $0x80  }
0x4: {  	s15 =	simm.s32 $0x400;
	s21 =	simm.s32 $0x200;
	s22 =	simm.s32 $0x4  }
0x5: {  	s23 =	simm.s32 $0x8400;
	s28 =	simm.s32 $0xC400;
	s29 =	simm.s32 $0x380  }
0x6: {  	s30 =	simm.s32 $0xE400;
	s31 =	simm.s32 $0x1;
	s16 =	simm.s32 $0x0  }
0x7: {  	s0 =	sand.u32 $0x1, s0;
	s2 =	sshll.u32 s2, $0x1;
	[smem:$0x7FF] =	sst s3  }
0x8: {  	s5 =	sadd.s32 $0xDCE00, s1;
	s2 =	sor.u32 s0, s2;
	s0 =	ssub.s32 $0x2, s0  }
0x9: {  	_ =	strace $0x80000047;
	s4 =	smul.u32 $0xC80, s2;
	s24 =	sshrl.u32 s0, $0x1  }
0xa: {  	s8 =	smul.u32 $0x320000, s2;
	s2 =	simm.s32 $0x3;
	s0 =	ssub.s32 s0, s24  }
.Ltmp0:
0xb: {  	s24 =	simm.s32 $0x280;
	s6 =	sadd.s32 s4, s1;
	(pc) =	sbr.rel .LBB2_1-.Ltmp0, $4  }
0xc: {  	s4 =	sadd.s32 $0x19800, s1;
	s9 =	smax.u32 s0, $0x1;
	s1 =	simm.s32 $0x40  }
0xd: {  	s0 =	simm.s32 $0x2;
	s25 =	sadd.s32 $0x800, s6;
	s26 =	sadd.s32 $0x840, s6  }
0xe: {  	v1 =	vlaneseq.u32;
	s10 =	sadd.s32 $0x880, s6;
	s11 =	sadd.s32 $0x8C0, s6;
	[dreg:$0x3] =	wrdreg s25  }
0xf: {  	v0 =	vimm.f32 $0.0e+00;
	v1 =	vmul.u32 $0x40, v1;
	[dreg:$0x4] =	wrdreg s26;
	s25 =	simm.s32 $0xA400;
	s26 =	simm.s32 $0x300  }
.LBB2_15:
0x10: {  	s16 =	sadd.s32 $0x1, s16  }
0x11: {  	p0 =	sne.s32 s16, s9  }
.Ltmp1:
0x12: {  	_ = 	snop;
	(pc) =	sbr.rel @!p0 .LBB2_16-.Ltmp1, $4  }
0x13: {  	_ = 	snop  }
0x14: {  	_ =	swait.ge [sflag:s2], $0x8000  }
0x15: {  	[sflag:s2] =	ssyncset.done $0x0  }
0x16: {  	[sflag:s2] =	ssyncadd.s32 $0xFFFF8000  }
.LBB2_1:
0x17: {  	s6 =	rddreg [dreg:$0x1]  }
0x18: {  	[tilespmem:s12], [sflag:$0x5] =	stream.linear.gather [hbm4b:s6+s3], $0x400, $0x38;
	[tilespmem:$0x10800] =	vst v63  }
0x19: {  	_ =	swait.ge [sflag:s13], $0x400  }
0x1a: {  	[sflag:s13] =	ssyncset.done $0x0  }
0x1b: {  	s20 =	rddreg [dreg:$0x3];
	[sflag:s13] =	ssyncadd.s32 $0xFFFFFC00  }
0x1c: {  	[tilespmem:s3], [sflag:$0x5] =	stream.linear.gather [hbm4b:s20+s3], $0x200, $0x38;
	[tilespmem:$0x10800] =	vst v63  }
0x1d: {  	_ =	swait.ge [sflag:s13], $0x200  }
0x1e: {  	[sflag:s13] =	ssyncset.done $0x0  }
0x1f: {  	[sflag:s13] =	ssyncadd.s32 $0xFFFFFE00  }
0x20: {  	[tilespmem:s15], [sflag:$0x1] =	stream.indirect.gather [hbm4b:s4+s14], $0x40, s3, s14, $0xb8;
	[tilespmem:$0x10800] =	vst v63  }
0x21: {  	s7 =	simm.s32 $0x2400  }
0x22: {  	[tilespmem:s7], [sflag:$0x1] =	stream.indirect.gather [hbm4b:s4+s14], $0x40, s14, s14, $0xb8;
	[tilespmem:$0x10800] =	vst v63  }
0x23: {  	s17 =	simm.s32 $0x100;
	s7 =	simm.s32 $0x4400  }
0x24: {  	[tilespmem:s7], [sflag:$0x1] =	stream.indirect.gather [hbm4b:s4+s14], $0x40, s17, s14, $0xb8;
	[tilespmem:$0x10800] =	vst v63  }
.Ltmp2:
0x25: {  	_ = 	snop;
	(pc) =	sbr.rel .LBB2_2-.Ltmp2, $4  }
0x26: {  	s18 =	simm.s32 $0x180;
	s19 =	simm.s32 $0x6400  }
0x27: {  	[tilespmem:s19], [sflag:$0x1] =	stream.indirect.gather [hbm4b:s4+s14], $0x40, s18, s14, $0xb8;
	[tilespmem:$0x10800] =	vst v63  }
0x28: {  	s20 =	rddreg [dreg:$0x4];
	s17 =	simm.s32 $0x0  }
0x29: {  	[tilespmem:s21], [sflag:$0x4] =	stream.linear.gather [hbm4b:s20+s3], $0x200, $0x38;
	[tilespmem:$0x10800] =	vst v63  }
.LBB2_14:
0x2a: {  	s6 =	sadd.s32 @!p0 s11, s18  }
0x2b: {  	s7 =	simm.s32 @!p0 $0x0;
	s18 =	simm.s32 @!p0 $0x200;
	s17 =	sadd.s32 $0x1, s17  }
0x2c: {  	[tilespmem:s18], [sflag:$0x4] =	stream.linear.gather @!p0 [hbm4b:s6+s7], $0x200, $0x38;
	[tilespmem:$0x10800] =	vst v63  }
0x2d: {  	p0 =	sne.s32 s17, $0x19  }
.Ltmp3:
0x2e: {  	s20 =	sshll.u32 s19, $0x10;
	(pc) =	sbr.rel @!p0 .LBB2_15-.Ltmp3, $4  }
0x2f: {  	s6 =	sadd.s32 s8, s20  }
0x30: {  	s6 =	sshrl.u32 s6, $0x3  }
0x31: {  	s6 =	sadd.s32 s5, s6  }
0x32: {  	[hbm4b:s6+s1] =	stream.strided.scatter [tilespmem:s23], [sflag:$0x3], $0x8000, s14, s1, $0x38;
	[tilespmem:$0x10800] =	vst v63  }
.LBB2_2:
0x33: {  	_ =	swait.ge [sflag:s22], $0x200  }
0x34: {  	p0 =	seq.s32 s17, $0x0;
	[sflag:s22] =	ssyncset.done $0x0  }
0x35: {  	s6 =	simm.s32 @!p0 $0x3;
	[sflag:s22] =	ssyncadd.s32 $0xFFFFFE00  }
0x36: {  	_ =	swait.ge @!p0 [sflag:s6], $0x8000  }
0x37: {  	[sflag:s6] =	ssyncset.done @!p0 $0x0  }
0x38: {  	[sflag:s6] =	ssyncadd.s32 @!p0 $0xFFFF8000  }
0x39: {  	[tilespmem:s23], [sflag:$0x2] =	stream.indirect.gather [hbm4b:s4+s14], $0x40, s21, s14, $0xb8;
	[tilespmem:$0x10800] =	vst v63  }
0x3a: {  	_ = 	snop  }
0x3b: {  	[tilespmem:s25], [sflag:$0x2] =	stream.indirect.gather [hbm4b:s4+s14], $0x40, s24, s14, $0xb8;
	[tilespmem:$0x10800] =	vst v63  }
0x3c: {  	_ = 	snop  }
0x3d: {  	[tilespmem:s28], [sflag:$0x2] =	stream.indirect.gather [hbm4b:s4+s14], $0x40, s26, s14, $0xb8;
	[tilespmem:$0x10800] =	vst v63  }
0x3e: {  	_ = 	snop  }
0x3f: {  	[tilespmem:s30], [sflag:$0x2] =	stream.indirect.gather [hbm4b:s4+s14], $0x40, s29, s14, $0xb8;
	[tilespmem:$0x10800] =	vst v63  }
0x40: {  	_ =	swait.ge [sflag:s31], $0x2000  }
0x41: {  	[sflag:s31] =	ssyncset.done $0x0  }
0x42: {  	[sflag:s31] =	ssyncadd.s32 $0xFFFFE000  }
0x43: {  	_ =	swait.ge [sflag:s31], $0x2000  }
0x44: {  	[sflag:s31] =	ssyncset.done $0x0  }
0x45: {  	[sflag:s31] =	ssyncadd.s32 $0xFFFFE000  }
0x46: {  	_ =	swait.ge [sflag:s31], $0x2000  }
.Ltmp4:
0x47: {  	[sflag:s31] =	ssyncset.done $0x0;
	(pc) =	sbr.rel .LBB2_3-.Ltmp4, $4  }
0x48: {  	[sflag:s31] =	ssyncadd.s32 $0xFFFFE000  }
0x49: {  	_ =	swait.ge [sflag:s31], $0x2000  }
0x4a: {  	[sflag:s31] =	ssyncset.done $0x0  }
0x4b: {  	s19 =	sshll.u32 s17, $0x1;
	s18 =	simm.s32 $0x0;
	[sflag:s31] =	ssyncadd.s32 $0xFFFFE000  }
.LBB2_6:
0x4c: {  	_ =	sdelay $0x2  }
0x4d: {  	v3 =	vand.u32 $0x3F, v7  }
0x4e: {  	v3 =	vbroadcast v3, $0x0  }
0x4f: {  	[tilespmem:v5+s15+$0x0] =	vst.idx.add.f32.msk vm0, v4  }
0x50: {  	v4 =	vld.idx.msk [tilespmem:v6+s12+$0x0], vm0;
	v2 =	vor.u32 v2, v3;
	_ =	sdelay $0x4  }
0x51: {  	[tilespmem:v2+s15+$0x0] =	vst.idx.add.f32.msk vm0, v4  }
.LBB2_7:
0x52: {  	s18 =	sadd.s32 $0x1, s18  }
0x53: {  	p0 =	sne.s32 s18, $0x20  }
.Ltmp5:
0x54: {  	_ = 	snop;
	(pc) =	sbr.rel @!p0 .LBB2_8-.Ltmp5, $1  }
0x55: {  	_ =	sdelay $0x3  }
.LBB2_3:
0x56: {  	s6 =	sshll.u32 s18, $0x4  }
0x57: {  	s7 =	sand.u32 $0x1F0, s6  }
0x58: {  	v2 =	vld [tilespmem:s7+$0x0];
	_ =	sdelay $0x4  }
0x59: {  	v3 =	vand.u32 $0xFFFFFFF0, v2  }
0x5a: {  	vm0 =	veq.s32 v3, $0x7D00  }
0x5b: {  	v3 =	vsel vm0, $0x3F800000, v0  }
0x5c: {  	(xrf0) =	vmax.scan.msk.f32 $0xffff, v3;
	_ =	sdelay $0x5  }
0x5d: {  	v3, _, _ =	vpop (xrf0)  }
0x5e: {  	(v2sf) =	vpush v3, $0xF;
	_ =	sdelay $0xe  }
0x5f: {  	s20 =	spop (v2sf)  }
0x60: {  	p0 =	sgt.f32 s20, $0.0e+00  }
.Ltmp6:
0x61: {  	_ = 	snop;
	(pc) =	sbr.rel @!p0 .LBB2_7-.Ltmp6, $1  }
0x62: {  	_ =	sdelay $0x3  }
0x63: {  	v2 =	vadd.s32 $0xFFFF8300, v2  }
0x64: {  	s20 =	simm.s32 $0x0;
	v4 =	vnsel vm0, $0x0, v2  }
0x65: {  	v2 =	vmov s20  }
0x66: {  	v3 =	vmov s6;
	v2 =	vand.u32 $0x3F, v2  }
0x67: {  	v5 =	vshll.u32 v3, $0x6;
	v6 =	vbroadcast v2, $0x0  }
0x68: {  	v2 =	vor.u32 v1, v5  }
0x69: {  	v3 =	vadd.s32 $0x10, v4;
	v5 =	vor.u32 v2, v6;
	v4 =	vld.idx.msk [tilespmem:v4+s12+$0x0], vm0  }
0x6a: {  	v6 =	vadd.s32 s20, v3  }
0x6b: {  	s7 =	simm.s32 $0x1  }
0x6c: {  	s6 =	simm.s32 $0x2;
	v7 =	vmov s7  }
.LBB2_5:
0x6d: {  	p0 =	sne.s32 s6, $0x3F;
	v7 =	vand.u32 $0x3F, v7  }
0x6e: {  	v7 =	vbroadcast v7, $0x0;
	[tilespmem:v5+s15+$0x0] =	vst.idx.add.f32.msk vm0, v4  }
.Ltmp7:
0x6f: {  	v4 =	vld.idx.msk [tilespmem:v6+s12+$0x0], vm0;
	(pc) =	sbr.rel @p0 .LBB2_5-.Ltmp7, $3  }
0x70: {  	s20 =	sadd.s32 $0x10, s20;
	v5 =	vor.u32 v2, v7  }
0x71: {  	v6 =	vadd.s32 s20, v3;
	_ =	sdelay $0x1  }
0x72: {  	v7 =	vmov s6;
	s6 =	sadd.s32 $0x1, s6  }
.Ltmp8:
0x73: {  	_ = 	snop;
	(pc) =	sbr.rel .LBB2_6-.Ltmp8, $1  }
0x74: {  	_ =	sdelay $0x3  }
.LBB2_8:
0x75: {  	p0 =	seq.s32 s17, $0x18  }
0x76: {  	s18 =	sshll.u32 @!p0 s17, $0x7  }
0x77: {  	s20 =	sshll.u32 s17, $0x11;
	s7 =	simm.s32 @!p0 $0x0;
	s6 =	sadd.s32 @!p0 s10, s18  }
0x78: {  	[tilespmem:s7], [sflag:$0x4] =	stream.linear.gather @!p0 [hbm4b:s6+s7], $0x200, $0x38;
	[tilespmem:$0x10800] =	vst v63  }
0x79: {  	s6 =	sadd.s32 s8, s20  }
0x7a: {  	s19 =	sor.u32 $0x1, s19;
	s6 =	sshrl.u32 s6, $0x3  }
0x7b: {  	p1 =	sgt.u32 s19, $0x30;
	s6 =	sadd.s32 s5, s6  }
0x7c: {  	[hbm4b:s6+s1] =	stream.strided.scatter [tilespmem:s15], [sflag:$0x3], $0x8000, s14, s1, $0x38;
	[tilespmem:$0x10800] =	vst v63  }
0x7d: {  	s6 =	simm.s32 @p1 $0x3  }
0x7e: {  	_ =	swait.ge @p1 [sflag:s6], $0x8000  }
0x7f: {  	[sflag:s6] =	ssyncset.done @p1 $0x0  }
0x80: {  	[sflag:s6] =	ssyncadd.s32 @p1 $0xFFFF8000;
	s6 =	simm.s32 @!p1 $0x4  }
0x81: {  	_ =	swait.ge @!p1 [sflag:s6], $0x200  }
0x82: {  	[sflag:s6] =	ssyncset.done @!p1 $0x0  }
0x83: {  	[sflag:s6] =	ssyncadd.s32 @!p1 $0xFFFFFE00;
	s6 =	simm.s32 @!p1 $0x3  }
0x84: {  	_ =	swait.ge @!p1 [sflag:s6], $0x8000  }
0x85: {  	s7 =	simm.s32 @!p1 $0x0;
	[sflag:s6] =	ssyncset.done @!p1 $0x0  }
0x86: {  	s20 =	simm.s32 @!p1 $0x400;
	[sflag:s6] =	ssyncadd.s32 @!p1 $0xFFFF8000;
	s6 =	simm.s32 @!p1 $0x80  }
0x87: {  	[tilespmem:s20], [sflag:$0x1] =	stream.indirect.gather @!p1 [hbm4b:s4+s6], $0x40, s7, s6, $0xb8;
	[tilespmem:$0x10800] =	vst v63  }
0x88: {  	s7 =	simm.s32 @!p1 $0x2400  }
0x89: {  	[tilespmem:s7], [sflag:$0x1] =	stream.indirect.gather @!p1 [hbm4b:s4+s6], $0x40, s6, s6, $0xb8;
	[tilespmem:$0x10800] =	vst v63  }
0x8a: {  	s20 =	simm.s32 @!p1 $0x4400;
	s7 =	simm.s32 @!p1 $0x100  }
0x8b: {  	[tilespmem:s20], [sflag:$0x1] =	stream.indirect.gather @!p1 [hbm4b:s4+s6], $0x40, s7, s6, $0xb8;
	[tilespmem:$0x10800] =	vst v63  }
0x8c: {  	s7 =	simm.s32 @!p1 $0x180;
	s20 =	simm.s32 @!p1 $0x6400  }
0x8d: {  	[tilespmem:s20], [sflag:$0x1] =	stream.indirect.gather @!p1 [hbm4b:s4+s6], $0x40, s7, s6, $0xb8;
	[tilespmem:$0x10800] =	vst v63  }
0x8e: {  	_ =	swait.ge [sflag:s0], $0x2000  }
0x8f: {  	[sflag:s0] =	ssyncset.done $0x0  }
0x90: {  	[sflag:s0] =	ssyncadd.s32 $0xFFFFE000  }
0x91: {  	_ =	swait.ge [sflag:s0], $0x2000  }
0x92: {  	[sflag:s0] =	ssyncset.done $0x0  }
0x93: {  	[sflag:s0] =	ssyncadd.s32 $0xFFFFE000  }
0x94: {  	_ =	swait.ge [sflag:s0], $0x2000  }
.Ltmp9:
0x95: {  	[sflag:s0] =	ssyncset.done $0x0;
	(pc) =	sbr.rel .LBB2_9-.Ltmp9, $4  }
0x96: {  	[sflag:s0] =	ssyncadd.s32 $0xFFFFE000  }
0x97: {  	_ =	swait.ge [sflag:s0], $0x2000  }
0x98: {  	[sflag:s0] =	ssyncset.done $0x0  }
0x99: {  	s20 =	simm.s32 $0x0;
	[sflag:s0] =	ssyncadd.s32 $0xFFFFE000  }
.LBB2_12:
0x9a: {  	_ =	sdelay $0x2  }
0x9b: {  	v3 =	vand.u32 $0x3F, v7  }
0x9c: {  	v3 =	vbroadcast v3, $0x0  }
0x9d: {  	[tilespmem:v5+s23+$0x0] =	vst.idx.add.f32.msk vm0, v4  }
0x9e: {  	v4 =	vld.idx.msk [tilespmem:v6+s12+$0x0], vm0;
	v2 =	vor.u32 v2, v3;
	_ =	sdelay $0x4  }
0x9f: {  	[tilespmem:v2+s23+$0x0] =	vst.idx.add.f32.msk vm0, v4  }
.LBB2_13:
0xa0: {  	s20 =	sadd.s32 $0x1, s20  }
0xa1: {  	p1 =	sne.s32 s20, $0x20  }
.Ltmp10:
0xa2: {  	_ = 	snop;
	(pc) =	sbr.rel @!p1 .LBB2_14-.Ltmp10, $1  }
0xa3: {  	_ =	sdelay $0x3  }
.LBB2_9:
0xa4: {  	s7 =	sshll.u32 s20, $0x4  }
0xa5: {  	s6 =	sand.u32 $0x1F0, s7  }
0xa6: {  	v2 =	vld [tilespmem:s6+$0x200];
	_ =	sdelay $0x4  }
0xa7: {  	v3 =	vand.u32 $0xFFFFFFF0, v2  }
0xa8: {  	vm0 =	veq.s32 v3, $0x7D00  }
0xa9: {  	v3 =	vsel vm0, $0x3F800000, v0  }
0xaa: {  	(xrf0) =	vmax.scan.msk.f32 $0xffff, v3;
	_ =	sdelay $0x5  }
0xab: {  	v3, _, _ =	vpop (xrf0)  }
0xac: {  	(v2sf) =	vpush v3, $0xF;
	_ =	sdelay $0xe  }
0xad: {  	s6 =	spop (v2sf)  }
0xae: {  	p1 =	sgt.f32 s6, $0.0e+00  }
.Ltmp11:
0xaf: {  	_ = 	snop;
	(pc) =	sbr.rel @!p1 .LBB2_13-.Ltmp11, $1  }
0xb0: {  	_ =	sdelay $0x3  }
0xb1: {  	v2 =	vadd.s32 $0xFFFF8300, v2  }
0xb2: {  	s6 =	simm.s32 $0x0;
	v4 =	vnsel vm0, $0x0, v2  }
0xb3: {  	v2 =	vmov s6  }
0xb4: {  	v3 =	vmov s7;
	v2 =	vand.u32 $0x3F, v2  }
0xb5: {  	v5 =	vshll.u32 v3, $0x6;
	v6 =	vbroadcast v2, $0x0  }
0xb6: {  	v2 =	vor.u32 v1, v5  }
0xb7: {  	v3 =	vadd.s32 $0x10, v4;
	v5 =	vor.u32 v2, v6;
	v4 =	vld.idx.msk [tilespmem:v4+s12+$0x0], vm0  }
0xb8: {  	v6 =	vadd.s32 s6, v3  }
0xb9: {  	s7 =	simm.s32 $0x1  }
0xba: {  	v7 =	vmov s7;
	s7 =	simm.s32 $0x2  }
.LBB2_11:
0xbb: {  	p1 =	sne.s32 s7, $0x3F;
	v7 =	vand.u32 $0x3F, v7  }
0xbc: {  	v7 =	vbroadcast v7, $0x0;
	[tilespmem:v5+s23+$0x0] =	vst.idx.add.f32.msk vm0, v4  }
.Ltmp12:
0xbd: {  	v4 =	vld.idx.msk [tilespmem:v6+s12+$0x0], vm0;
	(pc) =	sbr.rel @p1 .LBB2_11-.Ltmp12, $3  }
0xbe: {  	s6 =	sadd.s32 $0x10, s6;
	v5 =	vor.u32 v2, v7  }
0xbf: {  	v6 =	vadd.s32 s6, v3;
	_ =	sdelay $0x1  }
0xc0: {  	v7 =	vmov s7;
	s7 =	sadd.s32 $0x1, s7  }
.Ltmp13:
0xc1: {  	_ = 	snop;
	(pc) =	sbr.rel .LBB2_12-.Ltmp13, $1  }
0xc2: {  	_ =	sdelay $0x3  }
.LBB2_16:
0xc3: {  	_ =	sfence.sel $0x180000  }
0xc4: {  	[bflag:$0x0] =	sbarrier.arrive $0xFFFF  }
0xc5: {  	_ =	strace $0x90000047  }
0xc6: {  	s0 =	stileid.u32;
	[bflag:$0x2] =	sbarrier.arrive $0xFFFF  }
0xc7: {  	p0 =	sne.s32 s0, $0x0;
	s0 =	rddreg [dreg:$0x2]  }
0xc8: {  	s0 =	sadd.s32 @!p0 $0x100000, s0  }
0xc9: {  	[sflag:s0] =	ssyncadd.tile.s32 @!p0 $0x1;
	_ =	shalt  }
.Lfunc_end2:
_tile_overlayer_lowered:
.L_overlay_start_2:
0xca: {  	(tag) =	ssettag $0x2  }
0xcb: {  	s0 =	rddreg [dreg:$0x0];
	s2 =	stileid.u32  }
0xcc: {  	s1 =	rddreg [dreg:$0x1];
	p0 =	sne.s32 s2, $0x0  }
0xcd: {  	s3 =	rddreg [dreg:$0x2];
	[bflag:$0x3] =	sbarrier.arrive $0xFFFF;
	s2 =	simm.s32 @!p0 $0x1C05  }
0xce: {  	[timem:s3], [sflag:s2] =	dma.local @!p0 [hbm:s0], s1  }
0xcf: {  	s0 =	simm.s32 @!p0 $0x5  }
0xd0: {  	_ =	swait.ge @!p0 [sflag:s0], s1  }
0xd1: {  	s1 =	ssub.s32 @!p0 $0x0, s1;
	[sflag:s0] =	ssyncset.done @!p0 $0x0  }
0xd2: {  	[sflag:s0] =	ssyncadd.s32 @!p0 s1  }
0xd3: {  	[bflag:$0x3] =	sbarrier.arrive $0xFFFF  }
0xd4: {  	_ =	shalt  }

// kernel: sparse-core-data-format-call.cloned.1.call-start
scs
called_computation_lowered:
.L_overlay_start_0:
0x0: {  	s2 =	sld [smem:$0x3FD9]  }
0x1: {  	s3 =	sld [smem:$0x3FFE];
	_ =	sdelay $0x1  }
0x2: {  	s1 =	srdreg.scid  }
0x3: {  	s0 =	sand.u32 $0x1, s1  }
0x4: {  	s18 =	sshll.u32 s0, $0xA;
	s2 =	sadd.s32 s3, s2  }
0x5: {  	s2 =	sadd.s32 s2, s18  }
0x6: {  	[smem:$0x3FC5] =	sst s2  }
0x7: {  	_ = 	snop  }
0x8: {  	s2 =	sld [smem:$0x3FD0];
	(tm) =	ssettm $0x1  }
0x9: {  	s19 =	sld [smem:$0x3FFB];
	_ =	sdelay $0x3  }
0xa: {  	_ =	strace s19  }
0xb: {  	s3 =	sld [smem:$0x3FFC];
	_ =	sdelay $0x3  }
0xc: {  	_ =	strace s3  }
0xd: {  	s3 =	sld [smem:$0x3FFD];
	_ =	sdelay $0x3  }
0xe: {  	_ =	strace s3  }
0xf: {  	_ =	strace $0x8FFFFFFF  }
0x10: {  	s20 =	sld [smem:$0x3FDB];
	_ =	sdelay $0x1  }
0x11: {  	s4 =	simm.s32 $_scs_section_size  }
0x12: {  	s5 =	simm.s32 $_size__tile_overlayer_lowered;
	s6 =	simm.s32 $_tile_overlayer_lowered  }
0x13: {  	s23 =	simm.s32 $0x1BFF;
	s22 =	sshll.u32 s6, $0x1;
	s3 =	sadd.s32 s4, s20  }
0x14: {  	s7 =	simm.s32 $0x0;
	s21 =	sshll.u32 s5, $0x1;
	s5 =	sadd.s32 s22, s3  }
0x15: {  	[timem:s7], [sflag:s23] =	dma.local [hbm:s5], s21  }
0x16: {  	_ =	swait.ge [sflag:s23], s21  }
0x17: {  	s4 =	ssub.s32 $0x0, s21;
	[sflag:s23] =	ssyncset.done $0x0  }
0x18: {  	[sflag:s23] =	ssyncadd.s32 s4;
	_ =	sdelay $0x1  }
0x19: {  	s24 =	simm.s32 $0x1B8B  }
0x1a: {  	_ =	swait.ge [sflag:s24], $0x1  }
0x1b: {  	[sflag:s24] =	ssyncset.done $0x0  }
0x1c: {  	s26 =	simm.s32 $0x1B8E;
	s25 =	sld [smem:$0x3FFE];
	[sflag:s24] =	ssyncadd.s32 $0xFFFFFFFF  }
0x1d: {  	s27 =	simm.s32 $execute0_lowered;
	[smem:$0x3FD2] =	sst s26  }
0x1e: {  	s5 =	sshll.u32 s27, $0x1;
	_ =	strace $0x80000049;
	[dreg:$0x1] =	wrdreg $0xFFFFFFFF  }
0x1f: {  	s28 =	simm.s32 $_size_execute0_lowered;
	s3 =	sadd.s32 s3, s5;
	[dreg:$0x0] =	wrdreg $0x0  }
0x20: {  	s5 =	sshll.u32 s28, $0x1;
	[dreg:$0x2] =	wrdreg s3  }
0x21: {  	[dreg:$0x3] =	wrdreg s5  }
0x22: {  	[dreg:$0x4] =	wrdreg $0xC0  }
0x23: {  	_ =	task [dreg:s7], $0x5FFFF  }
0x24: {  	[dreg:$0x1] =	wrdreg $0xFFFFFFFF  }
0x25: {  	[dreg:$0x0] =	wrdreg $0x60  }
0x26: {  	[dreg:$0x2] =	wrdreg s25  }
0x27: {  	[dreg:$0x3] =	wrdreg s2  }
0x28: {  	[dreg:$0x4] =	wrdreg $0x9  }
0x29: {  	_ =	task.clear_ibuf [dreg:s7], $0x5FFFF;
	_ =	strace $0x90000049  }
0x2a: {  	s29 =	simm.s32 $0x9;
	_ =	strace $0x8000004B  }
0x2b: {  	_ =	swait.ge [sflag:s29], $0x1  }
0x2c: {  	[sflag:s29] =	ssyncadd.s32 $0xFFFFFFFF  }
0x2d: {  	_ =	strace $0x9000004B  }
0x2e: {  	_ =	sfence  }
0x2f: {  	s30 =	sld [smem:$0x0];
	_ =	sdelay $0x2  }
0x30: {  	s31 =	sshll.u32 s1, $0xD;
	s1 =	sshrl.u32 s1, $0x2  }
0x31: {  	s3 =	sand.u32 $0x4000, s31;
	s1 =	sadd.s32 s1, s30  }
0x32: {  	s0 =	sor.u32 s3, s0;
	s1 =	sshll.u32 s1, $0x11  }
0x33: {  	s0 =	sor.u32 s1, s0  }
0x34: {  	s0 =	sadd.s32 $0x8F2B, s0  }
0x35: {  	[sflag:s0] =	ssyncadd.remote.s32 $0x1  }
0x36: {  	_ =	sfence.sel $0xFFFF  }
0x37: {  	[dreg:$0x0] =	wrdreg $0xFFFFFFFF;
	(pc) =	sbr.abs _section_cstart, $3  }
0x38: {  	[dreg:$0x1] =	wrdreg $0xFFFFFFFF  }
0x39: {  	_ =	task.clear_ibuf [dreg:s7], $0x2FFFF;
	_ =	strace $0x9FFFFFFF  }
0x3a: {  	(tm) =	ssettm $0x7FFFFFFF  }
0x3b: {  	_ =	shalt  }
tec
execute0_lowered:
.L_overlay_start_1:
0x0: {  	(tag) =	ssettag $0x1  }
0x1: {  	s0 =	srdreg.scid  }
0x2: {  	s1 =	sshll.u32 s0, $0x4  }
0x3: {  	s0 =	stileid.u32;
	s1 =	sand.u32 $0x10, s1  }
0x4: {  	s1 =	sor.u32 s0, s1  }
0x5: {  	s6 =	rddreg [dreg:$0x0];
	s4 =	simm.s32 $0x1;
	s2 =	sshll.u32 s1, $0x7  }
0x6: {  	s7 =	simm.s32 $0x2;
	s12 =	simm.s32 $0x0;
	s1 =	ssub.s32 $0x1000, s2  }
0x7: {  	s8 =	simm.s32 $0x8000;
	s13 =	simm.s32 $0x0;
	s3 =	sand.u32 $0xF80, s1  }
0x8: {  	s9 =	simm.s32 $0x0;
	s5 =	sshrl.u32 s1, $0xC;
	p0 =	sne.s32 s3, $0x0  }
.Ltmp0:
0x9: {  	s1 =	rddreg [dreg:$0x2];
	s4 =	simm.s32 @!p0 $0x0;
	(pc) =	sbr.rel .LBB1_1-.Ltmp0, $4  }
0xa: {  	s11 =	simm.s32 $0x0;
	s3 =	rddreg [dreg:$0x1];
	s5 =	sadd.s32 s4, s5  }
0xb: {  	_ =	strace $0x8000004A;
	s4 =	simm.s32 $0x1;
	s5 =	smul.u32 $0xC8, s5  }
0xc: {  	s6 =	sadd.s32 $0xDCE00, s6;
	s10 =	smov.u32 s2;
	[sflag:s4] =	ssyncpa.u1 $0x0  }
0xd: {  	p0 =	por $0x0, $0x0;
	[sflag:s7] =	ssyncpa.u1 $0x0;
	s7 =	sor.u32 $0x1, s5  }
.LBB1_4:
0xe: {  	s16 =	sshll.u32 s13, $0x3;
	s17 =	sand.u32 $0x78, s13  }
0xf: {  	s30 =	sand.u32 $0x7E00, s13;
	s12 =	sshll.u32 s12, $0xF;
	s16 =	sand.u32 $0xC00, s16  }
0x10: {  	[tilespmem:s15+$0x810 ss:$0x81] =	vst.msk $0xffff, v2;
	s31 =	sand.u32 $0x7, s13;
	s16 =	sor.u32 s17, s16;
	s17 =	sadd.s32 s3, s30  }
0x11: {  	[tilespmem:s15+$0x1020 ss:$0x81] =	vst.msk $0xffff, v0;
	s13 =	sshll.u32 s31, $0x12;
	s12 =	sadd.s32 s12, s17;
	s16 =	sshrl.u32 s16, $0x3  }
0x12: {  	[tilespmem:s15+$0x0 ss:$0x81] =	vst.msk $0xffff, v1;
	s13 =	sor.u32 $0x400, s13;
	s12 =	sadd.s32 s16, s12  }
0x13: {  	[hbm4b:s12+s13] =	stream.strided.scatter [tilespmem:s14], [sflag:$0x2], $0x2000, s8, s13, $0x20;
	[tilespmem:$0x8080] =	vst v63  }
.LBB1_5:
0x14: {  	s14 =	sadd.s32 $0x1, s9  }
0x15: {  	s12 =	sadd.s32 $0x1000, s10;
	s16 =	smov.u32 s10;
	p2 =	sgt.s32 s14, $0xC7  }
0x16: {  	s16 =	smov.u32 @p2 s12  }
0x17: {  	s14 =	simm.s32 @p2 $0x0;
	p2 =	sgt.s32 s16, $0xFFF  }
0x18: {  	s16 =	smov.u32 @p2 s2;
	p2 =	sne.s32 s11, s7  }
.Ltmp1:
0x19: {  	p1 =	slt.u32 s11, $0x2;
	(pc) =	sbr.rel @!p2 .LBB1_6-.Ltmp1, $4  }
0x1a: {  	s15 =	simm.s32 @!p1 $0x2  }
0x1b: {  	s13 =	smov.u32 s10;
	p0 =	por !p0, !p0;
	_ =	swait.ge @!p1 [sflag:s15], $0x2000  }
0x1c: {  	s12 =	smov.u32 s9;
	[sflag:s15] =	ssyncset.done @!p1 $0x0;
	s9 =	smov.u32 s14  }
0x1d: {  	s11 =	sadd.s32 $0x1, s11;
	[sflag:s15] =	ssyncadd.s32 @!p1 $0xFFFFE000;
	s10 =	smov.u32 s16  }
.LBB1_1:
0x1e: {  	p1 =	sge.u32 s11, s5  }
0x1f: {  	s14 =	sand.u32 @!p1 $0x1FFFFFF, s9  }
0x20: {  	s15 =	smulhi.u32 @!p1 $0x147AE15, s14;
	_ =	sdelay $0x1  }
0x21: {  	s15 =	smul.u32 @!p1 $0xC8, s15  }
0x22: {  	s16 =	sxor.u32 @!p1 $0xFFFFFFFF, s11;
	s17 =	smul.u32 @!p1 $0xC80, s10  }
0x23: {  	s31 =	sadd.s32 $0xFFFFFFFF, s11;
	s16 =	sshll.u32 @!p1 s16, $0xD;
	s14 =	ssub.s32 @!p1 s14, s15  }
0x24: {  	s15 =	sand.u32 @!p1 $0x2000, s16;
	s16 =	sadd.s32 @!p1 s6, s17;
	s14 =	sshll.u32 @!p1 s14, $0x4  }
0x25: {  	s17 =	simm.s32 @!p1 $0x6400;
	s14 =	sadd.s32 @!p1 s14, s16;
	s16 =	simm.s32 @!p1 $0x40  }
0x26: {  	[tilespmem:s15], [sflag:$0x1] =	stream.strided.gather @!p1 [hbm4b:s14+s16], $0x2000, s17, s16, $0x38;
	[tilespmem:$0x8080] =	vst v63  }
0x27: {  	p1 =	sge.u32 s31, s5  }
.Ltmp2:
0x28: {  	_ = 	snop;
	(pc) =	sbr.rel @p1 .LBB1_5-.Ltmp2, $1  }
0x29: {  	_ =	sdelay $0x3  }
0x2a: {  	s14 =	simm.s32 $0x1  }
0x2b: {  	_ =	swait.ge [sflag:s4], $0x2000;
	s14 =	simm.s32 @!p0 $0x0  }
0x2c: {  	[sflag:s4] =	ssyncset.done $0x0;
	s15 =	sshll.u32 s14, $0xD  }
0x2d: {  	[sflag:s4] =	ssyncadd.s32 $0xFFFFE000;
	s18 =	sor.u32 $0x20, s15  }
0x2e: {  	s14 =	smul.u32 $0x8100, s14;
	v3 =	vld [tilespmem:s18+$0x10]  }
0x2f: {  	s30 =	sand.u32 $0x1, s11;
	v2 =	vld [tilespmem:s18+$0xFFFFFFF0]  }
0x30: {  	s15 =	smul.u32 $0x8100, s30;
	s14 =	sshrl.u32 s14, $0x2;
	v0 =	vld [tilespmem:s18+$0x0]  }
0x31: {  	v1 =	vld [tilespmem:s18+$0xFFFFFFE0];
	s16 =	sor.u32 $0x4000, s14  }
0x32: {  	s31 =	sshrl.u32 s15, $0x2;
	s15 =	sadd.s32 $0x0, s16  }
0x33: {  	s17 =	simm.s32 $0x4;
	s18 =	sadd.s32 $0x40, s18;
	s14 =	sor.u32 $0x4000, s31;
	[tilespmem:s15+$0x1830 ss:$0x81] =	vst.msk $0xffff, v3  }
.LBB1_3:
0x34: {  	v3 =	vld [tilespmem:s18+$0x10];
	p1 =	sne.s32 s17, $0x1FC;
	[tilespmem:s15+$0x810 ss:$0x81] =	vst.msk $0xffff, v2;
	s19 =	smov.u32 s17;
	s17 =	sadd.s32 $0x4, s17  }
.Ltmp3:
0x35: {  	v2 =	vld [tilespmem:s18+$0xFFFFFFF0];
	[tilespmem:s15+$0x1020 ss:$0x81] =	vst.msk $0xffff, v0;
	(pc) =	sbr.rel @p1 .LBB1_3-.Ltmp3, $4  }
0x36: {  	v0 =	vld [tilespmem:s18+$0x0];
	[tilespmem:s15+$0x0 ss:$0x81] =	vst.msk $0xffff, v1  }
0x37: {  	s15 =	sshra.s32 s19, $0x2;
	v1 =	vld [tilespmem:s18+$0xFFFFFFE0]  }
0x38: {  	s15 =	sadd.s32 s15, s16  }
0x39: {  	s18 =	sadd.s32 $0x40, s18;
	[tilespmem:s15+$0x1830 ss:$0x81] =	vst.msk $0xffff, v3  }
.Ltmp4:
0x3a: {  	_ = 	snop;
	(pc) =	sbr.rel .LBB1_4-.Ltmp4, $1  }
0x3b: {  	_ =	sdelay $0x3  }
.LBB1_6:
0x3c: {  	_ =	sfence.sel $0x180000  }
0x3d: {  	s2 =	simm.s32 $0x1;
	[bflag:$0x0] =	sbarrier.arrive $0xFFFF  }
0x3e: {  	s31 =	simm.s32 $0x2;
	[sflag:s2] =	ssyncpa.u1 $0x1  }
0x3f: {  	[sflag:s31] =	ssyncpa.u1 $0x1  }
0x40: {  	p0 =	sne.s32 s0, $0x0;
	_ =	strace $0x9000004A  }
0x41: {  	s0 =	sadd.s32 @!p0 $0x100000, s1;
	[bflag:$0x2] =	sbarrier.arrive $0xFFFF  }
0x42: {  	[sflag:s0] =	ssyncadd.tile.s32 @!p0 $0x1;
	_ =	shalt  }
.Lfunc_end1:
_tile_overlayer_lowered:
.L_overlay_start_2:
0x43: {  	(tag) =	ssettag $0x2  }
0x44: {  	s0 =	rddreg [dreg:$0x0];
	s2 =	stileid.u32  }
0x45: {  	s1 =	rddreg [dreg:$0x1];
	p0 =	sne.s32 s2, $0x0  }
0x46: {  	s3 =	rddreg [dreg:$0x2];
	[bflag:$0x3] =	sbarrier.arrive $0xFFFF;
	s2 =	simm.s32 @!p0 $0x1C01  }
0x47: {  	[timem:s3], [sflag:s2] =	dma.local @!p0 [hbm:s0], s1  }
0x48: {  	s0 =	simm.s32 @!p0 $0x1  }
0x49: {  	_ =	swait.ge @!p0 [sflag:s0], s1  }
0x4a: {  	s1 =	ssub.s32 @!p0 $0x0, s1;
	[sflag:s0] =	ssyncset.done @!p0 $0x0  }
0x4b: {  	[sflag:s0] =	ssyncadd.s32 @!p0 s1  }
0x4c: {  	[bflag:$0x3] =	sbarrier.arrive $0xFFFF  }
0x4d: {  	_ =	shalt  }

</sc_bundles>
